<compile_context>
chip_gen: v7x
topology: tpu7x:2x2x1
jax: 0.10.2.dev20260603
libtpu: 0.0.44.dev20260713+nightly
codegen_flags: <defaults>
</compile_context>

<pallas_src>
import functools

import jax
import jax.numpy as jnp
from jax import lax
from jax.experimental import pallas as pl
from jax.experimental.pallas import tpu as pltpu
from jax.experimental.pallas import tpu_sc as plsc

VOCAB = 1000
VPAD = 1024
N_TOK = 1024 * 50

NC = 2
NS = 16
NW = NC * NS
L = 16

ROWS_PER_W = N_TOK // NW

_MESH = plsc.VectorSubcoreMesh(core_axis_name="c", subcore_axis_name="s")


HCH = 64
NHCH = ROWS_PER_W // HCH


def _hist_body(idx_hbm, tgt_hbm, zeros_hbm, hp_hbm,
               idx_v, tgt_v, flat_v, ones_v, sh):
    cid = lax.axis_index("c")
    sid = lax.axis_index("s")
    wid = sid * NC + cid
    base = wid * ROWS_PER_W

    @pl.when(sid == 0)
    def _():
        pltpu.sync_copy(zeros_hbm, sh)

    plsc.subcore_barrier()

    pltpu.sync_copy(idx_hbm.at[pl.ds(base, ROWS_PER_W)], idx_v)
    pltpu.sync_copy(tgt_hbm.at[pl.ds(base, ROWS_PER_W)], tgt_v)
    for k in range(HCH // L):
        ones_v[pl.ds(k * L, L)] = jnp.ones((L,), jnp.float32)

    def chunk(c, carry):
        for k in range(HCH // L):
            o = c * HCH + k * L
            i16 = idx_v[pl.ds(o, L)]
            t16 = tgt_v[pl.ds(o, L)]
            flat_v[pl.ds(k * L, L)] = i16 * VOCAB + t16
        pltpu.sync_copy(ones_v, sh.at[flat_v], add=True)
        return carry

    lax.fori_loop(0, NHCH, chunk, 0)
    plsc.subcore_barrier()

    @pl.when(sid == 0)
    def _():
        pltpu.sync_copy(sh, hp_hbm.at[cid])


_hist_call = functools.partial(
    pl.kernel,
    out_type=jax.ShapeDtypeStruct((NC, VOCAB * VOCAB), jnp.float32),
    mesh=_MESH,
    compiler_params=pltpu.CompilerParams(
        use_tc_tiling_on_sc=False, needs_layout_passes=False),
    scratch_types=[
        pltpu.VMEM((ROWS_PER_W,), jnp.int32),
        pltpu.VMEM((ROWS_PER_W,), jnp.int32),
        pltpu.VMEM((HCH,), jnp.int32),
        pltpu.VMEM((HCH,), jnp.float32),
        pltpu.VMEM_SHARED((VOCAB * VOCAB,), jnp.float32),
    ],
)(_hist_body)


CH = 32

VMAIN = 896
VREM = VPAD - VMAIN


def _make_gather(n_part):
    rows_per_w = n_part // NW
    nch = rows_per_w // CH
    assert rows_per_w % CH == 0 and nch % 2 == 0

    def _gather_body(emb_hbm, idx_hbm, outm_hbm, outr_hbm,
                     idx_v, rows0, rows1, gs0, gs1, ws0, ws1):
        wid = lax.axis_index("s") * NC + lax.axis_index("c")
        base = wid * rows_per_w
        pltpu.sync_copy(idx_hbm.at[pl.ds(base, rows_per_w)], idx_v)
        rows = (rows0, rows1)
        gs = (gs0, gs1)
        ws = (ws0, ws1)

        def gather(c, b):
            return pltpu.make_async_copy(
                emb_hbm.at[idx_v.at[pl.ds(c * CH, CH)]], rows[b], gs[b])

        def write_m(c, b):
            return pltpu.make_async_copy(
                rows[b].at[pl.ds(0, CH), pl.ds(0, VMAIN)],
                outm_hbm.at[pl.ds(base + c * CH, CH), pl.ds(0, VMAIN)],
                ws[b])

        def write_r(c, b):
            return pltpu.make_async_copy(
                rows[b].at[pl.ds(0, CH), pl.ds(VMAIN, VREM)],
                outr_hbm.at[pl.ds(base + c * CH, CH)], ws[b])

        gather(0, 0).start()
        gather(1, 1).start()

        def pair(i, carry):
            for b in range(2):
                c = 2 * i + b
                gather(c, b).wait()
                write_m(c, b).start()
                write_r(c, b).start()
                write_m(c, b).wait()
                write_r(c, b).wait()
                gather(c + 2, b).start()
            return carry

        lax.fori_loop(0, nch // 2 - 1, pair, 0)
        for b in range(2):
            c = nch - 2 + b
            gather(c, b).wait()
            write_m(c, b).start()
            write_r(c, b).start()
            write_m(c, b).wait()
            write_r(c, b).wait()

    return functools.partial(
        pl.kernel,
        out_type=[
            jax.ShapeDtypeStruct((n_part, VOCAB), jnp.float32),
            jax.ShapeDtypeStruct((n_part, VREM), jnp.float32),
        ],
        mesh=_MESH,
        scratch_types=[
            pltpu.VMEM((rows_per_w,), jnp.int32),
            pltpu.VMEM((CH, VPAD), jnp.float32),
            pltpu.VMEM((CH, VPAD), jnp.float32),
            pltpu.SemaphoreType.DMA,
            pltpu.SemaphoreType.DMA,
            pltpu.SemaphoreType.DMA,
            pltpu.SemaphoreType.DMA,
        ],
    )(_gather_body)


_gather_part = _make_gather(N_TOK)


def _loss_body(emb_ref, h_ref, loss_ref):
    x = emb_ref[...]
    m = jnp.max(x, axis=1, keepdims=True)
    s = jnp.sum(jnp.exp(x - m), axis=1, keepdims=True)
    lse = jnp.log(s) + m
    h = h_ref[0] + h_ref[1]
    counts = jnp.sum(h, axis=1, keepdims=True)
    total = jnp.sum(counts * lse) - jnp.sum(h * x)
    loss_ref[...] = jnp.reshape(total / jnp.float32(N_TOK), (1, 1))


_loss_call = pl.pallas_call(
    _loss_body,
    out_shape=jax.ShapeDtypeStruct((1, 1), jnp.float32),
)


def kernel(idx, targets, embedding):
    idxf = idx.reshape(-1).astype(jnp.int32)
    tgtf = targets.reshape(-1).astype(jnp.int32)
    embp = jnp.pad(embedding, ((0, 0), (0, VPAD - VOCAB)))
    hp = _hist_call(idxf, tgtf, jnp.zeros((VOCAB * VOCAB,), jnp.float32))
    outm, outr = _gather_part(embp, idxf)
    logits = lax.dynamic_update_slice(outm, outr[:, :VOCAB - VMAIN], (0, VMAIN))
    loss = _loss_call(embedding, hp.reshape(NC, VOCAB, VOCAB))[0, 0]
    return (logits, loss)

# --- scband reference (transcript-rebuilt; emitter-appended) ---
"""Pipeline reference for scband-bigram-language-model-43714177139147 (READ-ONLY COPY).

The authoritative reference and input builder live on the scoring server;
editing this copy changes nothing except your own understanding.
"""

import jax, jax.numpy as jnp
import numpy as np

VOCAB = 1000
B = 1024
T = 50


def setup_inputs(seed: int = 0) -> dict:
    key = jax.random.key(seed)
    k1, k2, k3 = jax.random.split(key, 3)
    idx = jax.random.randint(k1, (B, T), 0, VOCAB, dtype=jnp.int64) if jax.config.jax_enable_x64 else jax.random.randint(k1, (B, T), 0, VOCAB, dtype=jnp.int32)
    targets = jax.random.randint(k2, (B, T), 0, VOCAB, dtype=jnp.int64) if jax.config.jax_enable_x64 else jax.random.randint(k2, (B, T), 0, VOCAB, dtype=jnp.int32)
    embedding = jax.random.normal(k3, (VOCAB, VOCAB), dtype=jnp.float32) * 0.02
    return {"idx": idx, "targets": targets, "embedding": embedding}


def reference(idx, targets, embedding):
    # nnx.Embed lookup: logits[b, t, :] = embedding[idx[b, t], :]
    logits = jnp.take(embedding, idx, axis=0)  # [B, T, C]
    Bv, Tv, C = logits.shape
    logits2 = logits.reshape(Bv * Tv, C)
    t = targets.reshape(-1)
    # optax.softmax_cross_entropy_with_integer_labels
    log_probs = jax.nn.log_softmax(logits2, axis=-1)
    nll = -jnp.take_along_axis(log_probs, t[:, None], axis=1).squeeze(-1)
    loss = nll.mean()
    return (logits2, loss)

if __name__ == "__main__":
    import jax
    _d = setup_inputs()
    print(jax.jit(kernel)(*tuple(_d.values())))

</pallas_src>

<mosaic_0001>
#map = affine_map<(d0, d1) -> (0, 0)>
#map1 = affine_map<(d0, d1) -> (0)>
module attributes {stable_mosaic.version = 14 : i64} {
  func.func @_gather_body(%arg0: i32, %arg1: i32, %arg2: memref<1000x1024xf32, #tpu.memory_space<hbm>>, %arg3: memref<51200xi32, #tpu.memory_space<hbm>>, %arg4: memref<51200x1000xf32, #tpu.memory_space<hbm>>, %arg5: memref<51200x128xf32, #tpu.memory_space<hbm>>, %arg6: memref<1600xi32, #tpu.memory_space<vmem>>, %arg7: memref<32x1024xf32, #tpu.memory_space<vmem>>, %arg8: memref<32x1024xf32, #tpu.memory_space<vmem>>, %arg9: memref<!tpu.dma_semaphore, #tpu.memory_space<semaphore_mem>>, %arg10: memref<!tpu.dma_semaphore, #tpu.memory_space<semaphore_mem>>, %arg11: memref<!tpu.dma_semaphore, #tpu.memory_space<semaphore_mem>>, %arg12: memref<!tpu.dma_semaphore, #tpu.memory_space<semaphore_mem>>) attributes {dimension_semantics = [#tpu.dimension_semantics<core_parallel>, #tpu.dimension_semantics<subcore_parallel>], iteration_bounds = array<i64: 2, 16>, scalar_prefetch = 0 : i64, scratch_operands = 7 : i64, tpu.core_type = #tpu.core_type<sc_vector_subcore>, window_params = [{transform_indices = #map}, {transform_indices = #map1}, {transform_indices = #map}, {transform_indices = #map}]} {
    %mul3A = arith.constant 2 : i32
    %mul3A_0 = arith.muli %arg1, %mul3A : i32
    %add3A = arith.addi %mul3A_0, %arg0 : i32
    %mul3A_1 = arith.constant 1600 : i32
    %mul3A_2 = arith.muli %add3A, %mul3A_1 : i32
    "tpu.region"() ({
      %run_scoped3A = tpu.sem_alloc : memref<!tpu.dma_semaphore, #tpu.memory_space<semaphore_mem>>
      %dma_start3A_122 = tpu.memref_slice %arg3[%mul3A_2] : memref<51200xi32, #tpu.memory_space<hbm>> -> memref<1600xi32, #tpu.memory_space<hbm>>
      %dma_start3A_123 = tpu.memref_slice %arg3[%mul3A_2] : memref<51200xi32, #tpu.memory_space<hbm>> -> memref<1600xi32, #tpu.memory_space<hbm>>
      tpu.enqueue_dma source(%dma_start3A_123 : memref<1600xi32, #tpu.memory_space<hbm>>) target(%arg6 : memref<1600xi32, #tpu.memory_space<vmem>>) target_semaphore(%run_scoped3A : memref<!tpu.dma_semaphore, #tpu.memory_space<semaphore_mem>>)
      %dma_wait3A_124 = tpu.memref_slice %arg3[%mul3A_2] : memref<51200xi32, #tpu.memory_space<hbm>> -> memref<1600xi32, #tpu.memory_space<hbm>>
      %dma_wait3A_125 = tpu.memref_slice %arg3[%mul3A_2] : memref<51200xi32, #tpu.memory_space<hbm>> -> memref<1600xi32, #tpu.memory_space<hbm>>
      tpu.wait_dma2 semaphore(%run_scoped3A : memref<!tpu.dma_semaphore, #tpu.memory_space<semaphore_mem>>) src(%dma_wait3A_125 : memref<1600xi32, #tpu.memory_space<hbm>>) dst(%arg6 : memref<1600xi32, #tpu.memory_space<vmem>>)
      tpu.yield
    }) : () -> ()
    %dma_start3A = arith.constant 0 : i32
    %dma_start3A_3 = tpu.memref_slice %arg6[%dma_start3A] : memref<1600xi32, #tpu.memory_space<vmem>> -> memref<32xi32, #tpu.memory_space<vmem>>
    %dma_start3A_4 = arith.constant 0 : i32
    %dma_start3A_5 = arith.constant 0 : i32
    %dma_start3A_6 = tpu.memref_slice %arg2[%dma_start3A_4, %dma_start3A_5] : memref<1000x1024xf32, #tpu.memory_space<hbm>> -> memref<1000x1024xf32, #tpu.memory_space<hbm>>
    tpu.enqueue_indirect_dma source(%dma_start3A_6 : memref<1000x1024xf32, #tpu.memory_space<hbm>>) target(%arg7 : memref<32x1024xf32, #tpu.memory_space<vmem>>) offsets(%dma_start3A_3 : memref<32xi32, #tpu.memory_space<vmem>>) semaphore(%arg9 : memref<!tpu.dma_semaphore, #tpu.memory_space<semaphore_mem>>)
    %dma_start3A_7 = arith.constant 32 : i32
    %dma_start3A_8 = tpu.memref_slice %arg6[%dma_start3A_7] : memref<1600xi32, #tpu.memory_space<vmem>> -> memref<32xi32, #tpu.memory_space<vmem>>
    %dma_start3A_9 = arith.constant 0 : i32
    %dma_start3A_10 = arith.constant 0 : i32
    %dma_start3A_11 = tpu.memref_slice %arg2[%dma_start3A_9, %dma_start3A_10] : memref<1000x1024xf32, #tpu.memory_space<hbm>> -> memref<1000x1024xf32, #tpu.memory_space<hbm>>
    tpu.enqueue_indirect_dma source(%dma_start3A_11 : memref<1000x1024xf32, #tpu.memory_space<hbm>>) target(%arg8 : memref<32x1024xf32, #tpu.memory_space<vmem>>) offsets(%dma_start3A_8 : memref<32xi32, #tpu.memory_space<vmem>>) semaphore(%arg10 : memref<!tpu.dma_semaphore, #tpu.memory_space<semaphore_mem>>)
    %scan3A = arith.constant 0 : i32
    %scan3A_12 = arith.constant 0 : i32
    %scan3A_13 = arith.constant 24 : i32
    %scan3A_14 = arith.addi %scan3A_12, %scan3A_13 : i32
    %scan3A_15 = arith.constant 1 : i32
    scf.for %scan3A_122 = %scan3A_12 to %scan3A_14 step %scan3A_15  : i32 {
      %mul3A_123 = arith.constant 2 : i32
      %mul3A_124 = arith.muli %mul3A_123, %scan3A_122 : i32
      %add3A_125 = arith.constant 0 : i32
      %add3A_126 = arith.addi %mul3A_124, %add3A_125 : i32
      %mul3A_127 = arith.constant 32 : i32
      %mul3A_128 = arith.muli %add3A_126, %mul3A_127 : i32
      %dma_wait3A_129 = tpu.memref_slice %arg6[%mul3A_128] : memref<1600xi32, #tpu.memory_space<vmem>> -> memref<32xi32, #tpu.memory_space<vmem>>
      %dma_wait3A_130 = arith.constant 0 : i32
      %dma_wait3A_131 = arith.constant 0 : i32
      %dma_wait3A_132 = tpu.memref_slice %arg2[%dma_wait3A_130, %dma_wait3A_131] : memref<1000x1024xf32, #tpu.memory_space<hbm>> -> memref<1000x1024xf32, #tpu.memory_space<hbm>>
      tpu.wait_indirect_dma semaphore(%arg9 : memref<!tpu.dma_semaphore, #tpu.memory_space<semaphore_mem>>) src(%dma_wait3A_132 : memref<1000x1024xf32, #tpu.memory_space<hbm>>) dst(%arg7 : memref<32x1024xf32, #tpu.memory_space<vmem>>)
      %mul3A_133 = arith.constant 32 : i32
      %mul3A_134 = arith.muli %add3A_126, %mul3A_133 : i32
      %add3A_135 = arith.addi %mul3A_2, %mul3A_134 : i32
      %dma_start3A_136 = arith.constant 0 : i32
      %dma_start3A_137 = arith.constant 0 : i32
      %dma_start3A_138 = tpu.memref_slice %arg7[%dma_start3A_136, %dma_start3A_137] : memref<32x1024xf32, #tpu.memory_space<vmem>> -> memref<32x896xf32, #tpu.memory_space<vmem>>
      %dma_start3A_139 = arith.constant 0 : i32
      %dma_start3A_140 = tpu.memref_slice %arg4[%add3A_135, %dma_start3A_139] : memref<51200x1000xf32, #tpu.memory_space<hbm>> -> memref<32x896xf32, #tpu.memory_space<hbm>>
      %dma_start3A_141 = arith.constant 0 : i32
      %dma_start3A_142 = tpu.memref_slice %arg4[%add3A_135, %dma_start3A_141] : memref<51200x1000xf32, #tpu.memory_space<hbm>> -> memref<32x896xf32, #tpu.memory_space<hbm>>
      %dma_start3A_143 = arith.constant 0 : i32
      %dma_start3A_144 = arith.constant 0 : i32
      %dma_start3A_145 = tpu.memref_slice %arg7[%dma_start3A_143, %dma_start3A_144] : memref<32x1024xf32, #tpu.memory_space<vmem>> -> memref<32x896xf32, #tpu.memory_space<vmem>>
      tpu.enqueue_dma source(%dma_start3A_145 : memref<32x896xf32, #tpu.memory_space<vmem>>) target(%dma_start3A_142 : memref<32x896xf32, #tpu.memory_space<hbm>>) target_semaphore(%arg11 : memref<!tpu.dma_semaphore, #tpu.memory_space<semaphore_mem>>)
      %mul3A_146 = arith.constant 32 : i32
      %mul3A_147 = arith.muli %add3A_126, %mul3A_146 : i32
      %add3A_148 = arith.addi %mul3A_2, %mul3A_147 : i32
      %dma_start3A_149 = arith.constant 0 : i32
      %dma_start3A_150 = arith.constant 896 : i32
      %dma_start3A_151 = tpu.memref_slice %arg7[%dma_start3A_149, %dma_start3A_150] : memref<32x1024xf32, #tpu.memory_space<vmem>> -> memref<32x128xf32, #tpu.memory_space<vmem>>
      %dma_start3A_152 = arith.constant 0 : i32
      %dma_start3A_153 = tpu.memref_slice %arg5[%add3A_148, %dma_start3A_152] : memref<51200x128xf32, #tpu.memory_space<hbm>> -> memref<32x128xf32, #tpu.memory_space<hbm>>
      %dma_start3A_154 = arith.constant 0 : i32
      %dma_start3A_155 = tpu.memref_slice %arg5[%add3A_148, %dma_start3A_154] : memref<51200x128xf32, #tpu.memory_space<hbm>> -> memref<32x128xf32, #tpu.memory_space<hbm>>
      %dma_start3A_156 = arith.constant 0 : i32
      %dma_start3A_157 = arith.constant 896 : i32
      %dma_start3A_158 = tpu.memref_slice %arg7[%dma_start3A_156, %dma_start3A_157] : memref<32x1024xf32, #tpu.memory_space<vmem>> -> memref<32x128xf32, #tpu.memory_space<vmem>>
      tpu.enqueue_dma source(%dma_start3A_158 : memref<32x128xf32, #tpu.memory_space<vmem>>) target(%dma_start3A_155 : memref<32x128xf32, #tpu.memory_space<hbm>>) target_semaphore(%arg11 : memref<!tpu.dma_semaphore, #tpu.memory_space<semaphore_mem>>)
      %mul3A_159 = arith.constant 32 : i32
      %mul3A_160 = arith.muli %add3A_126, %mul3A_159 : i32
      %add3A_161 = arith.addi %mul3A_2, %mul3A_160 : i32
      %dma_wait3A_162 = arith.constant 0 : i32
      %dma_wait3A_163 = arith.constant 0 : i32
      %dma_wait3A_164 = tpu.memref_slice %arg7[%dma_wait3A_162, %dma_wait3A_163] : memref<32x1024xf32, #tpu.memory_space<vmem>> -> memref<32x896xf32, #tpu.memory_space<vmem>>
      %dma_wait3A_165 = arith.constant 0 : i32
      %dma_wait3A_166 = tpu.memref_slice %arg4[%add3A_161, %dma_wait3A_165] : memref<51200x1000xf32, #tpu.memory_space<hbm>> -> memref<32x896xf32, #tpu.memory_space<hbm>>
      %dma_wait3A_167 = arith.constant 0 : i32
      %dma_wait3A_168 = tpu.memref_slice %arg4[%add3A_161, %dma_wait3A_167] : memref<51200x1000xf32, #tpu.memory_space<hbm>> -> memref<32x896xf32, #tpu.memory_space<hbm>>
      %dma_wait3A_169 = arith.constant 0 : i32
      %dma_wait3A_170 = arith.constant 0 : i32
      %dma_wait3A_171 = tpu.memref_slice %arg7[%dma_wait3A_169, %dma_wait3A_170] : memref<32x1024xf32, #tpu.memory_space<vmem>> -> memref<32x896xf32, #tpu.memory_space<vmem>>
      tpu.wait_dma2 semaphore(%arg11 : memref<!tpu.dma_semaphore, #tpu.memory_space<semaphore_mem>>) src(%dma_wait3A_171 : memref<32x896xf32, #tpu.memory_space<vmem>>) dst(%dma_wait3A_168 : memref<32x896xf32, #tpu.memory_space<hbm>>)
      %mul3A_172 = arith.constant 32 : i32
      %mul3A_173 = arith.muli %add3A_126, %mul3A_172 : i32
      %add3A_174 = arith.addi %mul3A_2, %mul3A_173 : i32
      %dma_wait3A_175 = arith.constant 0 : i32
      %dma_wait3A_176 = arith.constant 896 : i32
      %dma_wait3A_177 = tpu.memref_slice %arg7[%dma_wait3A_175, %dma_wait3A_176] : memref<32x1024xf32, #tpu.memory_space<vmem>> -> memref<32x128xf32, #tpu.memory_space<vmem>>
      %dma_wait3A_178 = arith.constant 0 : i32
      %dma_wait3A_179 = tpu.memref_slice %arg5[%add3A_174, %dma_wait3A_178] : memref<51200x128xf32, #tpu.memory_space<hbm>> -> memref<32x128xf32, #tpu.memory_space<hbm>>
      %dma_wait3A_180 = arith.constant 0 : i32
      %dma_wait3A_181 = tpu.memref_slice %arg5[%add3A_174, %dma_wait3A_180] : memref<51200x128xf32, #tpu.memory_space<hbm>> -> memref<32x128xf32, #tpu.memory_space<hbm>>
      %dma_wait3A_182 = arith.constant 0 : i32
      %dma_wait3A_183 = arith.constant 896 : i32
      %dma_wait3A_184 = tpu.memref_slice %arg7[%dma_wait3A_182, %dma_wait3A_183] : memref<32x1024xf32, #tpu.memory_space<vmem>> -> memref<32x128xf32, #tpu.memory_space<vmem>>
      tpu.wait_dma2 semaphore(%arg11 : memref<!tpu.dma_semaphore, #tpu.memory_space<semaphore_mem>>) src(%dma_wait3A_184 : memref<32x128xf32, #tpu.memory_space<vmem>>) dst(%dma_wait3A_181 : memref<32x128xf32, #tpu.memory_space<hbm>>)
      %add3A_185 = arith.constant 2 : i32
      %add3A_186 = arith.addi %add3A_126, %add3A_185 : i32
      %mul3A_187 = arith.constant 32 : i32
      %mul3A_188 = arith.muli %add3A_186, %mul3A_187 : i32
      %dma_start3A_189 = tpu.memref_slice %arg6[%mul3A_188] : memref<1600xi32, #tpu.memory_space<vmem>> -> memref<32xi32, #tpu.memory_space<vmem>>
      %dma_start3A_190 = arith.constant 0 : i32
      %dma_start3A_191 = arith.constant 0 : i32
      %dma_start3A_192 = tpu.memref_slice %arg2[%dma_start3A_190, %dma_start3A_191] : memref<1000x1024xf32, #tpu.memory_space<hbm>> -> memref<1000x1024xf32, #tpu.memory_space<hbm>>
      tpu.enqueue_indirect_dma source(%dma_start3A_192 : memref<1000x1024xf32, #tpu.memory_space<hbm>>) target(%arg7 : memref<32x1024xf32, #tpu.memory_space<vmem>>) offsets(%dma_start3A_189 : memref<32xi32, #tpu.memory_space<vmem>>) semaphore(%arg9 : memref<!tpu.dma_semaphore, #tpu.memory_space<semaphore_mem>>)
      %mul3A_193 = arith.constant 2 : i32
      %mul3A_194 = arith.muli %mul3A_193, %scan3A_122 : i32
      %add3A_195 = arith.constant 1 : i32
      %add3A_196 = arith.addi %mul3A_194, %add3A_195 : i32
      %mul3A_197 = arith.constant 32 : i32
      %mul3A_198 = arith.muli %add3A_196, %mul3A_197 : i32
      %dma_wait3A_199 = tpu.memref_slice %arg6[%mul3A_198] : memref<1600xi32, #tpu.memory_space<vmem>> -> memref<32xi32, #tpu.memory_space<vmem>>
      %dma_wait3A_200 = arith.constant 0 : i32
      %dma_wait3A_201 = arith.constant 0 : i32
      %dma_wait3A_202 = tpu.memref_slice %arg2[%dma_wait3A_200, %dma_wait3A_201] : memref<1000x1024xf32, #tpu.memory_space<hbm>> -> memref<1000x1024xf32, #tpu.memory_space<hbm>>
      tpu.wait_indirect_dma semaphore(%arg10 : memref<!tpu.dma_semaphore, #tpu.memory_space<semaphore_mem>>) src(%dma_wait3A_202 : memref<1000x1024xf32, #tpu.memory_space<hbm>>) dst(%arg8 : memref<32x1024xf32, #tpu.memory_space<vmem>>)
      %mul3A_203 = arith.constant 32 : i32
      %mul3A_204 = arith.muli %add3A_196, %mul3A_203 : i32
      %add3A_205 = arith.addi %mul3A_2, %mul3A_204 : i32
      %dma_start3A_206 = arith.constant 0 : i32
      %dma_start3A_207 = arith.constant 0 : i32
      %dma_start3A_208 = tpu.memref_slice %arg8[%dma_start3A_206, %dma_start3A_207] : memref<32x1024xf32, #tpu.memory_space<vmem>> -> memref<32x896xf32, #tpu.memory_space<vmem>>
      %dma_start3A_209 = arith.constant 0 : i32
      %dma_start3A_210 = tpu.memref_slice %arg4[%add3A_205, %dma_start3A_209] : memref<51200x1000xf32, #tpu.memory_space<hbm>> -> memref<32x896xf32, #tpu.memory_space<hbm>>
      %dma_start3A_211 = arith.constant 0 : i32
      %dma_start3A_212 = tpu.memref_slice %arg4[%add3A_205, %dma_start3A_211] : memref<51200x1000xf32, #tpu.memory_space<hbm>> -> memref<32x896xf32, #tpu.memory_space<hbm>>
      %dma_start3A_213 = arith.constant 0 : i32
      %dma_start3A_214 = arith.constant 0 : i32
      %dma_start3A_215 = tpu.memref_slice %arg8[%dma_start3A_213, %dma_start3A_214] : memref<32x1024xf32, #tpu.memory_space<vmem>> -> memref<32x896xf32, #tpu.memory_space<vmem>>
      tpu.enqueue_dma source(%dma_start3A_215 : memref<32x896xf32, #tpu.memory_space<vmem>>) target(%dma_start3A_212 : memref<32x896xf32, #tpu.memory_space<hbm>>) target_semaphore(%arg12 : memref<!tpu.dma_semaphore, #tpu.memory_space<semaphore_mem>>)
      %mul3A_216 = arith.constant 32 : i32
      %mul3A_217 = arith.muli %add3A_196, %mul3A_216 : i32
      %add3A_218 = arith.addi %mul3A_2, %mul3A_217 : i32
      %dma_start3A_219 = arith.constant 0 : i32
      %dma_start3A_220 = arith.constant 896 : i32
      %dma_start3A_221 = tpu.memref_slice %arg8[%dma_start3A_219, %dma_start3A_220] : memref<32x1024xf32, #tpu.memory_space<vmem>> -> memref<32x128xf32, #tpu.memory_space<vmem>>
      %dma_start3A_222 = arith.constant 0 : i32
      %dma_start3A_223 = tpu.memref_slice %arg5[%add3A_218, %dma_start3A_222] : memref<51200x128xf32, #tpu.memory_space<hbm>> -> memref<32x128xf32, #tpu.memory_space<hbm>>
      %dma_start3A_224 = arith.constant 0 : i32
      %dma_start3A_225 = tpu.memref_slice %arg5[%add3A_218, %dma_start3A_224] : memref<51200x128xf32, #tpu.memory_space<hbm>> -> memref<32x128xf32, #tpu.memory_space<hbm>>
      %dma_start3A_226 = arith.constant 0 : i32
      %dma_start3A_227 = arith.constant 896 : i32
      %dma_start3A_228 = tpu.memref_slice %arg8[%dma_start3A_226, %dma_start3A_227] : memref<32x1024xf32, #tpu.memory_space<vmem>> -> memref<32x128xf32, #tpu.memory_space<vmem>>
      tpu.enqueue_dma source(%dma_start3A_228 : memref<32x128xf32, #tpu.memory_space<vmem>>) target(%dma_start3A_225 : memref<32x128xf32, #tpu.memory_space<hbm>>) target_semaphore(%arg12 : memref<!tpu.dma_semaphore, #tpu.memory_space<semaphore_mem>>)
      %mul3A_229 = arith.constant 32 : i32
      %mul3A_230 = arith.muli %add3A_196, %mul3A_229 : i32
      %add3A_231 = arith.addi %mul3A_2, %mul3A_230 : i32
      %dma_wait3A_232 = arith.constant 0 : i32
      %dma_wait3A_233 = arith.constant 0 : i32
      %dma_wait3A_234 = tpu.memref_slice %arg8[%dma_wait3A_232, %dma_wait3A_233] : memref<32x1024xf32, #tpu.memory_space<vmem>> -> memref<32x896xf32, #tpu.memory_space<vmem>>
      %dma_wait3A_235 = arith.constant 0 : i32
      %dma_wait3A_236 = tpu.memref_slice %arg4[%add3A_231, %dma_wait3A_235] : memref<51200x1000xf32, #tpu.memory_space<hbm>> -> memref<32x896xf32, #tpu.memory_space<hbm>>
      %dma_wait3A_237 = arith.constant 0 : i32
      %dma_wait3A_238 = tpu.memref_slice %arg4[%add3A_231, %dma_wait3A_237] : memref<51200x1000xf32, #tpu.memory_space<hbm>> -> memref<32x896xf32, #tpu.memory_space<hbm>>
      %dma_wait3A_239 = arith.constant 0 : i32
      %dma_wait3A_240 = arith.constant 0 : i32
      %dma_wait3A_241 = tpu.memref_slice %arg8[%dma_wait3A_239, %dma_wait3A_240] : memref<32x1024xf32, #tpu.memory_space<vmem>> -> memref<32x896xf32, #tpu.memory_space<vmem>>
      tpu.wait_dma2 semaphore(%arg12 : memref<!tpu.dma_semaphore, #tpu.memory_space<semaphore_mem>>) src(%dma_wait3A_241 : memref<32x896xf32, #tpu.memory_space<vmem>>) dst(%dma_wait3A_238 : memref<32x896xf32, #tpu.memory_space<hbm>>)
      %mul3A_242 = arith.constant 32 : i32
      %mul3A_243 = arith.muli %add3A_196, %mul3A_242 : i32
      %add3A_244 = arith.addi %mul3A_2, %mul3A_243 : i32
      %dma_wait3A_245 = arith.constant 0 : i32
      %dma_wait3A_246 = arith.constant 896 : i32
      %dma_wait3A_247 = tpu.memref_slice %arg8[%dma_wait3A_245, %dma_wait3A_246] : memref<32x1024xf32, #tpu.memory_space<vmem>> -> memref<32x128xf32, #tpu.memory_space<vmem>>
      %dma_wait3A_248 = arith.constant 0 : i32
      %dma_wait3A_249 = tpu.memref_slice %arg5[%add3A_244, %dma_wait3A_248] : memref<51200x128xf32, #tpu.memory_space<hbm>> -> memref<32x128xf32, #tpu.memory_space<hbm>>
      %dma_wait3A_250 = arith.constant 0 : i32
      %dma_wait3A_251 = tpu.memref_slice %arg5[%add3A_244, %dma_wait3A_250] : memref<51200x128xf32, #tpu.memory_space<hbm>> -> memref<32x128xf32, #tpu.memory_space<hbm>>
      %dma_wait3A_252 = arith.constant 0 : i32
      %dma_wait3A_253 = arith.constant 896 : i32
      %dma_wait3A_254 = tpu.memref_slice %arg8[%dma_wait3A_252, %dma_wait3A_253] : memref<32x1024xf32, #tpu.memory_space<vmem>> -> memref<32x128xf32, #tpu.memory_space<vmem>>
      tpu.wait_dma2 semaphore(%arg12 : memref<!tpu.dma_semaphore, #tpu.memory_space<semaphore_mem>>) src(%dma_wait3A_254 : memref<32x128xf32, #tpu.memory_space<vmem>>) dst(%dma_wait3A_251 : memref<32x128xf32, #tpu.memory_space<hbm>>)
      %add3A_255 = arith.constant 2 : i32
      %add3A_256 = arith.addi %add3A_196, %add3A_255 : i32
      %mul3A_257 = arith.constant 32 : i32
      %mul3A_258 = arith.muli %add3A_256, %mul3A_257 : i32
      %dma_start3A_259 = tpu.memref_slice %arg6[%mul3A_258] : memref<1600xi32, #tpu.memory_space<vmem>> -> memref<32xi32, #tpu.memory_space<vmem>>
      %dma_start3A_260 = arith.constant 0 : i32
      %dma_start3A_261 = arith.constant 0 : i32
      %dma_start3A_262 = tpu.memref_slice %arg2[%dma_start3A_260, %dma_start3A_261] : memref<1000x1024xf32, #tpu.memory_space<hbm>> -> memref<1000x1024xf32, #tpu.memory_space<hbm>>
      tpu.enqueue_indirect_dma source(%dma_start3A_262 : memref<1000x1024xf32, #tpu.memory_space<hbm>>) target(%arg8 : memref<32x1024xf32, #tpu.memory_space<vmem>>) offsets(%dma_start3A_259 : memref<32xi32, #tpu.memory_space<vmem>>) semaphore(%arg10 : memref<!tpu.dma_semaphore, #tpu.memory_space<semaphore_mem>>)
    }
    %scan3A_16 = arith.constant 24 : i32
    %dma_wait3A = arith.constant 1536 : i32
    %dma_wait3A_17 = tpu.memref_slice %arg6[%dma_wait3A] : memref<1600xi32, #tpu.memory_space<vmem>> -> memref<32xi32, #tpu.memory_space<vmem>>
    %dma_wait3A_18 = arith.constant 0 : i32
    %dma_wait3A_19 = arith.constant 0 : i32
    %dma_wait3A_20 = tpu.memref_slice %arg2[%dma_wait3A_18, %dma_wait3A_19] : memref<1000x1024xf32, #tpu.memory_space<hbm>> -> memref<1000x1024xf32, #tpu.memory_space<hbm>>
    tpu.wait_indirect_dma semaphore(%arg9 : memref<!tpu.dma_semaphore, #tpu.memory_space<semaphore_mem>>) src(%dma_wait3A_20 : memref<1000x1024xf32, #tpu.memory_space<hbm>>) dst(%arg7 : memref<32x1024xf32, #tpu.memory_space<vmem>>)
    %add3A_21 = arith.constant 1536 : i32
    %add3A_22 = arith.addi %mul3A_2, %add3A_21 : i32
    %dma_start3A_23 = arith.constant 0 : i32
    %dma_start3A_24 = arith.constant 0 : i32
    %dma_start3A_25 = tpu.memref_slice %arg7[%dma_start3A_23, %dma_start3A_24] : memref<32x1024xf32, #tpu.memory_space<vmem>> -> memref<32x896xf32, #tpu.memory_space<vmem>>
    %dma_start3A_26 = arith.constant 0 : i32
    %dma_start3A_27 = tpu.memref_slice %arg4[%add3A_22, %dma_start3A_26] : memref<51200x1000xf32, #tpu.memory_space<hbm>> -> memref<32x896xf32, #tpu.memory_space<hbm>>
    %dma_start3A_28 = arith.constant 0 : i32
    %dma_start3A_29 = tpu.memref_slice %arg4[%add3A_22, %dma_start3A_28] : memref<51200x1000xf32, #tpu.memory_space<hbm>> -> memref<32x896xf32, #tpu.memory_space<hbm>>
    %dma_start3A_30 = arith.constant 0 : i32
    %dma_start3A_31 = arith.constant 0 : i32
    %dma_start3A_32 = tpu.memref_slice %arg7[%dma_start3A_30, %dma_start3A_31] : memref<32x1024xf32, #tpu.memory_space<vmem>> -> memref<32x896xf32, #tpu.memory_space<vmem>>
    tpu.enqueue_dma source(%dma_start3A_32 : memref<32x896xf32, #tpu.memory_space<vmem>>) target(%dma_start3A_29 : memref<32x896xf32, #tpu.memory_space<hbm>>) target_semaphore(%arg11 : memref<!tpu.dma_semaphore, #tpu.memory_space<semaphore_mem>>)
    %add3A_33 = arith.constant 1536 : i32
    %add3A_34 = arith.addi %mul3A_2, %add3A_33 : i32
    %dma_start3A_35 = arith.constant 0 : i32
    %dma_start3A_36 = arith.constant 896 : i32
    %dma_start3A_37 = tpu.memref_slice %arg7[%dma_start3A_35, %dma_start3A_36] : memref<32x1024xf32, #tpu.memory_space<vmem>> -> memref<32x128xf32, #tpu.memory_space<vmem>>
    %dma_start3A_38 = arith.constant 0 : i32
    %dma_start3A_39 = tpu.memref_slice %arg5[%add3A_34, %dma_start3A_38] : memref<51200x128xf32, #tpu.memory_space<hbm>> -> memref<32x128xf32, #tpu.memory_space<hbm>>
    %dma_start3A_40 = arith.constant 0 : i32
    %dma_start3A_41 = tpu.memref_slice %arg5[%add3A_34, %dma_start3A_40] : memref<51200x128xf32, #tpu.memory_space<hbm>> -> memref<32x128xf32, #tpu.memory_space<hbm>>
    %dma_start3A_42 = arith.constant 0 : i32
    %dma_start3A_43 = arith.constant 896 : i32
    %dma_start3A_44 = tpu.memref_slice %arg7[%dma_start3A_42, %dma_start3A_43] : memref<32x1024xf32, #tpu.memory_space<vmem>> -> memref<32x128xf32, #tpu.memory_space<vmem>>
    tpu.enqueue_dma source(%dma_start3A_44 : memref<32x128xf32, #tpu.memory_space<vmem>>) target(%dma_start3A_41 : memref<32x128xf32, #tpu.memory_space<hbm>>) target_semaphore(%arg11 : memref<!tpu.dma_semaphore, #tpu.memory_space<semaphore_mem>>)
    %add3A_45 = arith.constant 1536 : i32
    %add3A_46 = arith.addi %mul3A_2, %add3A_45 : i32
    %dma_wait3A_47 = arith.constant 0 : i32
    %dma_wait3A_48 = arith.constant 0 : i32
    %dma_wait3A_49 = tpu.memref_slice %arg7[%dma_wait3A_47, %dma_wait3A_48] : memref<32x1024xf32, #tpu.memory_space<vmem>> -> memref<32x896xf32, #tpu.memory_space<vmem>>
    %dma_wait3A_50 = arith.constant 0 : i32
    %dma_wait3A_51 = tpu.memref_slice %arg4[%add3A_46, %dma_wait3A_50] : memref<51200x1000xf32, #tpu.memory_space<hbm>> -> memref<32x896xf32, #tpu.memory_space<hbm>>
    %dma_wait3A_52 = arith.constant 0 : i32
    %dma_wait3A_53 = tpu.memref_slice %arg4[%add3A_46, %dma_wait3A_52] : memref<51200x1000xf32, #tpu.memory_space<hbm>> -> memref<32x896xf32, #tpu.memory_space<hbm>>
    %dma_wait3A_54 = arith.constant 0 : i32
    %dma_wait3A_55 = arith.constant 0 : i32
    %dma_wait3A_56 = tpu.memref_slice %arg7[%dma_wait3A_54, %dma_wait3A_55] : memref<32x1024xf32, #tpu.memory_space<vmem>> -> memref<32x896xf32, #tpu.memory_space<vmem>>
    tpu.wait_dma2 semaphore(%arg11 : memref<!tpu.dma_semaphore, #tpu.memory_space<semaphore_mem>>) src(%dma_wait3A_56 : memref<32x896xf32, #tpu.memory_space<vmem>>) dst(%dma_wait3A_53 : memref<32x896xf32, #tpu.memory_space<hbm>>)
    %add3A_57 = arith.constant 1536 : i32
    %add3A_58 = arith.addi %mul3A_2, %add3A_57 : i32
    %dma_wait3A_59 = arith.constant 0 : i32
    %dma_wait3A_60 = arith.constant 896 : i32
    %dma_wait3A_61 = tpu.memref_slice %arg7[%dma_wait3A_59, %dma_wait3A_60] : memref<32x1024xf32, #tpu.memory_space<vmem>> -> memref<32x128xf32, #tpu.memory_space<vmem>>
    %dma_wait3A_62 = arith.constant 0 : i32
    %dma_wait3A_63 = tpu.memref_slice %arg5[%add3A_58, %dma_wait3A_62] : memref<51200x128xf32, #tpu.memory_space<hbm>> -> memref<32x128xf32, #tpu.memory_space<hbm>>
    %dma_wait3A_64 = arith.constant 0 : i32
    %dma_wait3A_65 = tpu.memref_slice %arg5[%add3A_58, %dma_wait3A_64] : memref<51200x128xf32, #tpu.memory_space<hbm>> -> memref<32x128xf32, #tpu.memory_space<hbm>>
    %dma_wait3A_66 = arith.constant 0 : i32
    %dma_wait3A_67 = arith.constant 896 : i32
    %dma_wait3A_68 = tpu.memref_slice %arg7[%dma_wait3A_66, %dma_wait3A_67] : memref<32x1024xf32, #tpu.memory_space<vmem>> -> memref<32x128xf32, #tpu.memory_space<vmem>>
    tpu.wait_dma2 semaphore(%arg11 : memref<!tpu.dma_semaphore, #tpu.memory_space<semaphore_mem>>) src(%dma_wait3A_68 : memref<32x128xf32, #tpu.memory_space<vmem>>) dst(%dma_wait3A_65 : memref<32x128xf32, #tpu.memory_space<hbm>>)
    %dma_wait3A_69 = arith.constant 1568 : i32
    %dma_wait3A_70 = tpu.memref_slice %arg6[%dma_wait3A_69] : memref<1600xi32, #tpu.memory_space<vmem>> -> memref<32xi32, #tpu.memory_space<vmem>>
    %dma_wait3A_71 = arith.constant 0 : i32
    %dma_wait3A_72 = arith.constant 0 : i32
    %dma_wait3A_73 = tpu.memref_slice %arg2[%dma_wait3A_71, %dma_wait3A_72] : memref<1000x1024xf32, #tpu.memory_space<hbm>> -> memref<1000x1024xf32, #tpu.memory_space<hbm>>
    tpu.wait_indirect_dma semaphore(%arg10 : memref<!tpu.dma_semaphore, #tpu.memory_space<semaphore_mem>>) src(%dma_wait3A_73 : memref<1000x1024xf32, #tpu.memory_space<hbm>>) dst(%arg8 : memref<32x1024xf32, #tpu.memory_space<vmem>>)
    %add3A_74 = arith.constant 1568 : i32
    %add3A_75 = arith.addi %mul3A_2, %add3A_74 : i32
    %dma_start3A_76 = arith.constant 0 : i32
    %dma_start3A_77 = arith.constant 0 : i32
    %dma_start3A_78 = tpu.memref_slice %arg8[%dma_start3A_76, %dma_start3A_77] : memref<32x1024xf32, #tpu.memory_space<vmem>> -> memref<32x896xf32, #tpu.memory_space<vmem>>
    %dma_start3A_79 = arith.constant 0 : i32
    %dma_start3A_80 = tpu.memref_slice %arg4[%add3A_75, %dma_start3A_79] : memref<51200x1000xf32, #tpu.memory_space<hbm>> -> memref<32x896xf32, #tpu.memory_space<hbm>>
    %dma_start3A_81 = arith.constant 0 : i32
    %dma_start3A_82 = tpu.memref_slice %arg4[%add3A_75, %dma_start3A_81] : memref<51200x1000xf32, #tpu.memory_space<hbm>> -> memref<32x896xf32, #tpu.memory_space<hbm>>
    %dma_start3A_83 = arith.constant 0 : i32
    %dma_start3A_84 = arith.constant 0 : i32
    %dma_start3A_85 = tpu.memref_slice %arg8[%dma_start3A_83, %dma_start3A_84] : memref<32x1024xf32, #tpu.memory_space<vmem>> -> memref<32x896xf32, #tpu.memory_space<vmem>>
    tpu.enqueue_dma source(%dma_start3A_85 : memref<32x896xf32, #tpu.memory_space<vmem>>) target(%dma_start3A_82 : memref<32x896xf32, #tpu.memory_space<hbm>>) target_semaphore(%arg12 : memref<!tpu.dma_semaphore, #tpu.memory_space<semaphore_mem>>)
    %add3A_86 = arith.constant 1568 : i32
    %add3A_87 = arith.addi %mul3A_2, %add3A_86 : i32
    %dma_start3A_88 = arith.constant 0 : i32
    %dma_start3A_89 = arith.constant 896 : i32
    %dma_start3A_90 = tpu.memref_slice %arg8[%dma_start3A_88, %dma_start3A_89] : memref<32x1024xf32, #tpu.memory_space<vmem>> -> memref<32x128xf32, #tpu.memory_space<vmem>>
    %dma_start3A_91 = arith.constant 0 : i32
    %dma_start3A_92 = tpu.memref_slice %arg5[%add3A_87, %dma_start3A_91] : memref<51200x128xf32, #tpu.memory_space<hbm>> -> memref<32x128xf32, #tpu.memory_space<hbm>>
    %dma_start3A_93 = arith.constant 0 : i32
    %dma_start3A_94 = tpu.memref_slice %arg5[%add3A_87, %dma_start3A_93] : memref<51200x128xf32, #tpu.memory_space<hbm>> -> memref<32x128xf32, #tpu.memory_space<hbm>>
    %dma_start3A_95 = arith.constant 0 : i32
    %dma_start3A_96 = arith.constant 896 : i32
    %dma_start3A_97 = tpu.memref_slice %arg8[%dma_start3A_95, %dma_start3A_96] : memref<32x1024xf32, #tpu.memory_space<vmem>> -> memref<32x128xf32, #tpu.memory_space<vmem>>
    tpu.enqueue_dma source(%dma_start3A_97 : memref<32x128xf32, #tpu.memory_space<vmem>>) target(%dma_start3A_94 : memref<32x128xf32, #tpu.memory_space<hbm>>) target_semaphore(%arg12 : memref<!tpu.dma_semaphore, #tpu.memory_space<semaphore_mem>>)
    %add3A_98 = arith.constant 1568 : i32
    %add3A_99 = arith.addi %mul3A_2, %add3A_98 : i32
    %dma_wait3A_100 = arith.constant 0 : i32
    %dma_wait3A_101 = arith.constant 0 : i32
    %dma_wait3A_102 = tpu.memref_slice %arg8[%dma_wait3A_100, %dma_wait3A_101] : memref<32x1024xf32, #tpu.memory_space<vmem>> -> memref<32x896xf32, #tpu.memory_space<vmem>>
    %dma_wait3A_103 = arith.constant 0 : i32
    %dma_wait3A_104 = tpu.memref_slice %arg4[%add3A_99, %dma_wait3A_103] : memref<51200x1000xf32, #tpu.memory_space<hbm>> -> memref<32x896xf32, #tpu.memory_space<hbm>>
    %dma_wait3A_105 = arith.constant 0 : i32
    %dma_wait3A_106 = tpu.memref_slice %arg4[%add3A_99, %dma_wait3A_105] : memref<51200x1000xf32, #tpu.memory_space<hbm>> -> memref<32x896xf32, #tpu.memory_space<hbm>>
    %dma_wait3A_107 = arith.constant 0 : i32
    %dma_wait3A_108 = arith.constant 0 : i32
    %dma_wait3A_109 = tpu.memref_slice %arg8[%dma_wait3A_107, %dma_wait3A_108] : memref<32x1024xf32, #tpu.memory_space<vmem>> -> memref<32x896xf32, #tpu.memory_space<vmem>>
    tpu.wait_dma2 semaphore(%arg12 : memref<!tpu.dma_semaphore, #tpu.memory_space<semaphore_mem>>) src(%dma_wait3A_109 : memref<32x896xf32, #tpu.memory_space<vmem>>) dst(%dma_wait3A_106 : memref<32x896xf32, #tpu.memory_space<hbm>>)
    %add3A_110 = arith.constant 1568 : i32
    %add3A_111 = arith.addi %mul3A_2, %add3A_110 : i32
    %dma_wait3A_112 = arith.constant 0 : i32
    %dma_wait3A_113 = arith.constant 896 : i32
    %dma_wait3A_114 = tpu.memref_slice %arg8[%dma_wait3A_112, %dma_wait3A_113] : memref<32x1024xf32, #tpu.memory_space<vmem>> -> memref<32x128xf32, #tpu.memory_space<vmem>>
    %dma_wait3A_115 = arith.constant 0 : i32
    %dma_wait3A_116 = tpu.memref_slice %arg5[%add3A_111, %dma_wait3A_115] : memref<51200x128xf32, #tpu.memory_space<hbm>> -> memref<32x128xf32, #tpu.memory_space<hbm>>
    %dma_wait3A_117 = arith.constant 0 : i32
    %dma_wait3A_118 = tpu.memref_slice %arg5[%add3A_111, %dma_wait3A_117] : memref<51200x128xf32, #tpu.memory_space<hbm>> -> memref<32x128xf32, #tpu.memory_space<hbm>>
    %dma_wait3A_119 = arith.constant 0 : i32
    %dma_wait3A_120 = arith.constant 896 : i32
    %dma_wait3A_121 = tpu.memref_slice %arg8[%dma_wait3A_119, %dma_wait3A_120] : memref<32x1024xf32, #tpu.memory_space<vmem>> -> memref<32x128xf32, #tpu.memory_space<vmem>>
    tpu.wait_dma2 semaphore(%arg12 : memref<!tpu.dma_semaphore, #tpu.memory_space<semaphore_mem>>) src(%dma_wait3A_121 : memref<32x128xf32, #tpu.memory_space<vmem>>) dst(%dma_wait3A_118 : memref<32x128xf32, #tpu.memory_space<hbm>>)
    return
  }
}

#map = affine_map<(d0, d1) -> (0)>
#map1 = affine_map<(d0, d1) -> (0, 0)>
module attributes {stable_mosaic.version = 14 : i64} {
  func.func @_hist_body(%arg0: i32, %arg1: i32, %arg2: memref<51200xi32, #tpu.memory_space<hbm>>, %arg3: memref<51200xi32, #tpu.memory_space<hbm>>, %arg4: memref<1000000xf32, #tpu.memory_space<hbm>>, %arg5: memref<2x1000000xf32, #tpu.memory_space<hbm>>, %arg6: memref<1600xi32, #tpu.memory_space<vmem>>, %arg7: memref<1600xi32, #tpu.memory_space<vmem>>, %arg8: memref<64xi32, #tpu.memory_space<vmem>>, %arg9: memref<64xf32, #tpu.memory_space<vmem>>, %arg10: memref<1000000xf32, #tpu.memory_space<vmem_shared>>) attributes {dimension_semantics = [#tpu.dimension_semantics<core_parallel>, #tpu.dimension_semantics<subcore_parallel>], iteration_bounds = array<i64: 2, 16>, scalar_prefetch = 0 : i64, scratch_operands = 5 : i64, tpu.core_type = #tpu.core_type<sc_vector_subcore>, window_params = [{transform_indices = #map}, {transform_indices = #map}, {transform_indices = #map}, {transform_indices = #map1}]} {
    %mul3A = arith.constant 2 : i32
    %mul3A_0 = arith.muli %arg1, %mul3A : i32
    %add3A = arith.addi %mul3A_0, %arg0 : i32
    %mul3A_1 = arith.constant 1600 : i32
    %mul3A_2 = arith.muli %add3A, %mul3A_1 : i32
    %eq3A = arith.constant 0 : i32
    %eq3A_3 = arith.cmpi eq, %arg1, %eq3A : i32
    %convert_element_type3A = arith.extui %eq3A_3 : i1 to i32
    %cond3A = arith.constant 0 : i32
    %cond3A_4 = arith.cmpi ne, %convert_element_type3A, %cond3A : i32
    scf.if %cond3A_4 {
      "tpu.region"() ({
        %run_scoped3A = tpu.sem_alloc : memref<!tpu.dma_semaphore, #tpu.memory_space<semaphore_mem>>
        tpu.enqueue_dma source(%arg4 : memref<1000000xf32, #tpu.memory_space<hbm>>) target(%arg10 : memref<1000000xf32, #tpu.memory_space<vmem_shared>>) target_semaphore(%run_scoped3A : memref<!tpu.dma_semaphore, #tpu.memory_space<semaphore_mem>>)
        tpu.wait_dma2 semaphore(%run_scoped3A : memref<!tpu.dma_semaphore, #tpu.memory_space<semaphore_mem>>) src(%arg4 : memref<1000000xf32, #tpu.memory_space<hbm>>) dst(%arg10 : memref<1000000xf32, #tpu.memory_space<vmem_shared>>)
        tpu.yield
      }) : () -> ()
    } else {
    }
    %barrier3A = arith.constant 0 : index
    tpu.barrier barrier_id(%barrier3A)
    "tpu.region"() ({
      %run_scoped3A = tpu.sem_alloc : memref<!tpu.dma_semaphore, #tpu.memory_space<semaphore_mem>>
      %dma_start3A = tpu.memref_slice %arg2[%mul3A_2] : memref<51200xi32, #tpu.memory_space<hbm>> -> memref<1600xi32, #tpu.memory_space<hbm>>
      %dma_start3A_30 = tpu.memref_slice %arg2[%mul3A_2] : memref<51200xi32, #tpu.memory_space<hbm>> -> memref<1600xi32, #tpu.memory_space<hbm>>
      tpu.enqueue_dma source(%dma_start3A_30 : memref<1600xi32, #tpu.memory_space<hbm>>) target(%arg6 : memref<1600xi32, #tpu.memory_space<vmem>>) target_semaphore(%run_scoped3A : memref<!tpu.dma_semaphore, #tpu.memory_space<semaphore_mem>>)
      %dma_wait3A = tpu.memref_slice %arg2[%mul3A_2] : memref<51200xi32, #tpu.memory_space<hbm>> -> memref<1600xi32, #tpu.memory_space<hbm>>
      %dma_wait3A_31 = tpu.memref_slice %arg2[%mul3A_2] : memref<51200xi32, #tpu.memory_space<hbm>> -> memref<1600xi32, #tpu.memory_space<hbm>>
      tpu.wait_dma2 semaphore(%run_scoped3A : memref<!tpu.dma_semaphore, #tpu.memory_space<semaphore_mem>>) src(%dma_wait3A_31 : memref<1600xi32, #tpu.memory_space<hbm>>) dst(%arg6 : memref<1600xi32, #tpu.memory_space<vmem>>)
      tpu.yield
    }) : () -> ()
    "tpu.region"() ({
      %run_scoped3A = tpu.sem_alloc : memref<!tpu.dma_semaphore, #tpu.memory_space<semaphore_mem>>
      %dma_start3A = tpu.memref_slice %arg3[%mul3A_2] : memref<51200xi32, #tpu.memory_space<hbm>> -> memref<1600xi32, #tpu.memory_space<hbm>>
      %dma_start3A_30 = tpu.memref_slice %arg3[%mul3A_2] : memref<51200xi32, #tpu.memory_space<hbm>> -> memref<1600xi32, #tpu.memory_space<hbm>>
      tpu.enqueue_dma source(%dma_start3A_30 : memref<1600xi32, #tpu.memory_space<hbm>>) target(%arg7 : memref<1600xi32, #tpu.memory_space<vmem>>) target_semaphore(%run_scoped3A : memref<!tpu.dma_semaphore, #tpu.memory_space<semaphore_mem>>)
      %dma_wait3A = tpu.memref_slice %arg3[%mul3A_2] : memref<51200xi32, #tpu.memory_space<hbm>> -> memref<1600xi32, #tpu.memory_space<hbm>>
      %dma_wait3A_31 = tpu.memref_slice %arg3[%mul3A_2] : memref<51200xi32, #tpu.memory_space<hbm>> -> memref<1600xi32, #tpu.memory_space<hbm>>
      tpu.wait_dma2 semaphore(%run_scoped3A : memref<!tpu.dma_semaphore, #tpu.memory_space<semaphore_mem>>) src(%dma_wait3A_31 : memref<1600xi32, #tpu.memory_space<hbm>>) dst(%arg7 : memref<1600xi32, #tpu.memory_space<vmem>>)
      tpu.yield
    }) : () -> ()
    %broadcast_in_dim3A = arith.constant 1.000000e+00 : f32
    %broadcast_in_dim3A_5 = vector.broadcast %broadcast_in_dim3A : f32 to vector<16xf32>
    %swap3A = arith.constant 0 : index
    %swap3A_6 = tpu.vector_load %arg9[%swap3A] {strides = array<i32>} : memref<64xf32, #tpu.memory_space<vmem>>, vector<16xf32>,
    tpu.vector_store %arg9[%swap3A], %broadcast_in_dim3A_5 {strides = array<i32>} : memref<64xf32, #tpu.memory_space<vmem>>, vector<16xf32>,
    %broadcast_in_dim3A_7 = arith.constant 1.000000e+00 : f32
    %broadcast_in_dim3A_8 = vector.broadcast %broadcast_in_dim3A_7 : f32 to vector<16xf32>
    %swap3A_9 = arith.constant 16 : index
    %swap3A_10 = tpu.vector_load %arg9[%swap3A_9] {strides = array<i32>} : memref<64xf32, #tpu.memory_space<vmem>>, vector<16xf32>,
    tpu.vector_store %arg9[%swap3A_9], %broadcast_in_dim3A_8 {strides = array<i32>} : memref<64xf32, #tpu.memory_space<vmem>>, vector<16xf32>,
    %broadcast_in_dim3A_11 = arith.constant 1.000000e+00 : f32
    %broadcast_in_dim3A_12 = vector.broadcast %broadcast_in_dim3A_11 : f32 to vector<16xf32>
    %swap3A_13 = arith.constant 32 : index
    %swap3A_14 = tpu.vector_load %arg9[%swap3A_13] {strides = array<i32>} : memref<64xf32, #tpu.memory_space<vmem>>, vector<16xf32>,
    tpu.vector_store %arg9[%swap3A_13], %broadcast_in_dim3A_12 {strides = array<i32>} : memref<64xf32, #tpu.memory_space<vmem>>, vector<16xf32>,
    %broadcast_in_dim3A_15 = arith.constant 1.000000e+00 : f32
    %broadcast_in_dim3A_16 = vector.broadcast %broadcast_in_dim3A_15 : f32 to vector<16xf32>
    %swap3A_17 = arith.constant 48 : index
    %swap3A_18 = tpu.vector_load %arg9[%swap3A_17] {strides = array<i32>} : memref<64xf32, #tpu.memory_space<vmem>>, vector<16xf32>,
    tpu.vector_store %arg9[%swap3A_17], %broadcast_in_dim3A_16 {strides = array<i32>} : memref<64xf32, #tpu.memory_space<vmem>>, vector<16xf32>,
    %scan3A = arith.constant 0 : i32
    %scan3A_19 = arith.constant 0 : i32
    %scan3A_20 = arith.constant 25 : i32
    %scan3A_21 = arith.addi %scan3A_19, %scan3A_20 : i32
    %scan3A_22 = arith.constant 1 : i32
    scf.for %scan3A_30 = %scan3A_19 to %scan3A_21 step %scan3A_22  : i32 {
      %mul3A_31 = arith.constant 64 : i32
      %mul3A_32 = arith.muli %scan3A_30, %mul3A_31 : i32
      %add3A_33 = arith.constant 0 : i32
      %add3A_34 = arith.addi %mul3A_32, %add3A_33 : i32
      %get3A = arith.index_cast %add3A_34 : i32 to index
      %get3A_35 = tpu.vector_load %arg6[%get3A] {strides = array<i32>} : memref<1600xi32, #tpu.memory_space<vmem>>, vector<16xi32>,
      %get3A_36 = arith.index_cast %add3A_34 : i32 to index
      %get3A_37 = tpu.vector_load %arg7[%get3A_36] {strides = array<i32>} : memref<1600xi32, #tpu.memory_space<vmem>>, vector<16xi32>,
      %mul3A_38 = arith.constant 1000 : i32
      %mul3A_39 = vector.broadcast %mul3A_38 : i32 to vector<16xi32>
      %mul3A_40 = arith.muli %get3A_35, %mul3A_39 : vector<16xi32>
      %add3A_41 = arith.addi %mul3A_40, %get3A_37 : vector<16xi32>
      %swap3A_42 = arith.constant 0 : index
      %swap3A_43 = tpu.vector_load %arg8[%swap3A_42] {strides = array<i32>} : memref<64xi32, #tpu.memory_space<vmem>>, vector<16xi32>,
      tpu.vector_store %arg8[%swap3A_42], %add3A_41 {strides = array<i32>} : memref<64xi32, #tpu.memory_space<vmem>>, vector<16xi32>,
      %mul3A_44 = arith.constant 64 : i32
      %mul3A_45 = arith.muli %scan3A_30, %mul3A_44 : i32
      %add3A_46 = arith.constant 16 : i32
      %add3A_47 = arith.addi %mul3A_45, %add3A_46 : i32
      %get3A_48 = arith.index_cast %add3A_47 : i32 to index
      %get3A_49 = tpu.vector_load %arg6[%get3A_48] {strides = array<i32>} : memref<1600xi32, #tpu.memory_space<vmem>>, vector<16xi32>,
      %get3A_50 = arith.index_cast %add3A_47 : i32 to index
      %get3A_51 = tpu.vector_load %arg7[%get3A_50] {strides = array<i32>} : memref<1600xi32, #tpu.memory_space<vmem>>, vector<16xi32>,
      %mul3A_52 = arith.constant 1000 : i32
      %mul3A_53 = vector.broadcast %mul3A_52 : i32 to vector<16xi32>
      %mul3A_54 = arith.muli %get3A_49, %mul3A_53 : vector<16xi32>
      %add3A_55 = arith.addi %mul3A_54, %get3A_51 : vector<16xi32>
      %swap3A_56 = arith.constant 16 : index
      %swap3A_57 = tpu.vector_load %arg8[%swap3A_56] {strides = array<i32>} : memref<64xi32, #tpu.memory_space<vmem>>, vector<16xi32>,
      tpu.vector_store %arg8[%swap3A_56], %add3A_55 {strides = array<i32>} : memref<64xi32, #tpu.memory_space<vmem>>, vector<16xi32>,
      %mul3A_58 = arith.constant 64 : i32
      %mul3A_59 = arith.muli %scan3A_30, %mul3A_58 : i32
      %add3A_60 = arith.constant 32 : i32
      %add3A_61 = arith.addi %mul3A_59, %add3A_60 : i32
      %get3A_62 = arith.index_cast %add3A_61 : i32 to index
      %get3A_63 = tpu.vector_load %arg6[%get3A_62] {strides = array<i32>} : memref<1600xi32, #tpu.memory_space<vmem>>, vector<16xi32>,
      %get3A_64 = arith.index_cast %add3A_61 : i32 to index
      %get3A_65 = tpu.vector_load %arg7[%get3A_64] {strides = array<i32>} : memref<1600xi32, #tpu.memory_space<vmem>>, vector<16xi32>,
      %mul3A_66 = arith.constant 1000 : i32
      %mul3A_67 = vector.broadcast %mul3A_66 : i32 to vector<16xi32>
      %mul3A_68 = arith.muli %get3A_63, %mul3A_67 : vector<16xi32>
      %add3A_69 = arith.addi %mul3A_68, %get3A_65 : vector<16xi32>
      %swap3A_70 = arith.constant 32 : index
      %swap3A_71 = tpu.vector_load %arg8[%swap3A_70] {strides = array<i32>} : memref<64xi32, #tpu.memory_space<vmem>>, vector<16xi32>,
      tpu.vector_store %arg8[%swap3A_70], %add3A_69 {strides = array<i32>} : memref<64xi32, #tpu.memory_space<vmem>>, vector<16xi32>,
      %mul3A_72 = arith.constant 64 : i32
      %mul3A_73 = arith.muli %scan3A_30, %mul3A_72 : i32
      %add3A_74 = arith.constant 48 : i32
      %add3A_75 = arith.addi %mul3A_73, %add3A_74 : i32
      %get3A_76 = arith.index_cast %add3A_75 : i32 to index
      %get3A_77 = tpu.vector_load %arg6[%get3A_76] {strides = array<i32>} : memref<1600xi32, #tpu.memory_space<vmem>>, vector<16xi32>,
      %get3A_78 = arith.index_cast %add3A_75 : i32 to index
      %get3A_79 = tpu.vector_load %arg7[%get3A_78] {strides = array<i32>} : memref<1600xi32, #tpu.memory_space<vmem>>, vector<16xi32>,
      %mul3A_80 = arith.constant 1000 : i32
      %mul3A_81 = vector.broadcast %mul3A_80 : i32 to vector<16xi32>
      %mul3A_82 = arith.muli %get3A_77, %mul3A_81 : vector<16xi32>
      %add3A_83 = arith.addi %mul3A_82, %get3A_79 : vector<16xi32>
      %swap3A_84 = arith.constant 48 : index
      %swap3A_85 = tpu.vector_load %arg8[%swap3A_84] {strides = array<i32>} : memref<64xi32, #tpu.memory_space<vmem>>, vector<16xi32>,
      tpu.vector_store %arg8[%swap3A_84], %add3A_83 {strides = array<i32>} : memref<64xi32, #tpu.memory_space<vmem>>, vector<16xi32>,
      "tpu.region"() ({
        %run_scoped3A = tpu.sem_alloc : memref<!tpu.dma_semaphore, #tpu.memory_space<semaphore_mem>>
        %dma_start3A = arith.constant 0 : i32
        %dma_start3A_86 = tpu.memref_slice %arg10[%dma_start3A] : memref<1000000xf32, #tpu.memory_space<vmem_shared>> -> memref<1000000xf32, #tpu.memory_space<vmem_shared>>
        tpu.enqueue_indirect_dma source(%arg9 : memref<64xf32, #tpu.memory_space<vmem>>) target(%dma_start3A_86 : memref<1000000xf32, #tpu.memory_space<vmem_shared>>) offsets(%arg8 : memref<64xi32, #tpu.memory_space<vmem>>) semaphore(%run_scoped3A : memref<!tpu.dma_semaphore, #tpu.memory_space<semaphore_mem>>) {add = true}
        %dma_wait3A = arith.constant 0 : i32
        %dma_wait3A_87 = tpu.memref_slice %arg10[%dma_wait3A] : memref<1000000xf32, #tpu.memory_space<vmem_shared>> -> memref<1000000xf32, #tpu.memory_space<vmem_shared>>
        tpu.wait_indirect_dma semaphore(%run_scoped3A : memref<!tpu.dma_semaphore, #tpu.memory_space<semaphore_mem>>) src(%arg9 : memref<64xf32, #tpu.memory_space<vmem>>) dst(%dma_wait3A_87 : memref<1000000xf32, #tpu.memory_space<vmem_shared>>)
        tpu.yield
      }) : () -> ()
    }
    %scan3A_23 = arith.constant 25 : i32
    %barrier3A_24 = arith.constant 0 : index
    tpu.barrier barrier_id(%barrier3A_24)
    %eq3A_25 = arith.constant 0 : i32
    %eq3A_26 = arith.cmpi eq, %arg1, %eq3A_25 : i32
    %convert_element_type3A_27 = arith.extui %eq3A_26 : i1 to i32
    %cond3A_28 = arith.constant 0 : i32
    %cond3A_29 = arith.cmpi ne, %convert_element_type3A_27, %cond3A_28 : i32
    scf.if %cond3A_29 {
      "tpu.region"() ({
        %run_scoped3A = tpu.sem_alloc : memref<!tpu.dma_semaphore, #tpu.memory_space<semaphore_mem>>
        %dma_start3A = arith.constant 0 : i32
        %dma_start3A_30 = tpu.memref_slice %arg5[%arg0, %dma_start3A] : memref<2x1000000xf32, #tpu.memory_space<hbm>> -> memref<1x1000000xf32, #tpu.memory_space<hbm>>
        %dma_start3A_31 = tpu.memref_squeeze %dma_start3A_30 : memref<1x1000000xf32, #tpu.memory_space<hbm>> -> memref<1000000xf32, #tpu.memory_space<hbm>>
        tpu.enqueue_dma source(%arg10 : memref<1000000xf32, #tpu.memory_space<vmem_shared>>) target(%dma_start3A_31 : memref<1000000xf32, #tpu.memory_space<hbm>>) target_semaphore(%run_scoped3A : memref<!tpu.dma_semaphore, #tpu.memory_space<semaphore_mem>>)
        %dma_wait3A = arith.constant 0 : i32
        %dma_wait3A_32 = tpu.memref_slice %arg5[%arg0, %dma_wait3A] : memref<2x1000000xf32, #tpu.memory_space<hbm>> -> memref<1x1000000xf32, #tpu.memory_space<hbm>>
        %dma_wait3A_33 = tpu.memref_squeeze %dma_wait3A_32 : memref<1x1000000xf32, #tpu.memory_space<hbm>> -> memref<1000000xf32, #tpu.memory_space<hbm>>
        tpu.wait_dma2 semaphore(%run_scoped3A : memref<!tpu.dma_semaphore, #tpu.memory_space<semaphore_mem>>) src(%arg10 : memref<1000000xf32, #tpu.memory_space<vmem_shared>>) dst(%dma_wait3A_33 : memref<1000000xf32, #tpu.memory_space<hbm>>)
        tpu.yield
      }) : () -> ()
    } else {
    }
    return
  }
}

module attributes {stable_mosaic.version = 14 : i64} {
  func.func @_loss_body(%arg0: memref<1000x1000xf32, #tpu.memory_space<vmem>>, %arg1: memref<2x1000x1000xf32, #tpu.memory_space<vmem>>, %arg2: memref<1x1xf32, #tpu.memory_space<vmem>>) attributes {dimension_semantics = [], scalar_prefetch = 0 : i64, scratch_operands = 0 : i64, tpu.core_type = #tpu.core_type<tc>} {
    %get3A = arith.constant 0 : index
    %get3A_0 = arith.constant 0 : index
    %get3A_1 = vector.load %arg0[%get3A, %get3A_0] : memref<1000x1000xf32, #tpu.memory_space<vmem>>, vector<1000x1000xf32>
    %reduce_max3A = arith.constant dense<0xFF800000> : vector<1000xf32>
    %reduce_max3A_2 = vector.multi_reduction <maximumf>, %get3A_1, %reduce_max3A [1] : vector<1000x1000xf32> to vector<1000xf32>
    %broadcast_in_dim3A = vector.shape_cast %reduce_max3A_2 : vector<1000xf32> to vector<1000x1xf32>
    %sub3A = vector.broadcast %broadcast_in_dim3A : vector<1000x1xf32> to vector<1000x1000xf32>
    %sub3A_3 = arith.subf %get3A_1, %sub3A : vector<1000x1000xf32>
    %exp3A = math.exp %sub3A_3 : vector<1000x1000xf32>
    %reduce_sum3A = arith.constant dense<0.000000e+00> : vector<1000xf32>
    %reduce_sum3A_4 = vector.multi_reduction <add>, %exp3A, %reduce_sum3A [1] : vector<1000x1000xf32> to vector<1000xf32>
    %broadcast_in_dim3A_5 = vector.shape_cast %reduce_sum3A_4 : vector<1000xf32> to vector<1000x1xf32>
    %log3A = math.log %broadcast_in_dim3A_5 : vector<1000x1xf32>
    %add3A = arith.addf %log3A, %broadcast_in_dim3A : vector<1000x1xf32>
    %get3A_6 = arith.constant 0 : index
    %get3A_7 = arith.constant 0 : index
    %get3A_8 = arith.constant 0 : index
    %get3A_9 = vector.load %arg1[%get3A_6, %get3A_7, %get3A_8] : memref<2x1000x1000xf32, #tpu.memory_space<vmem>>, vector<1x1000x1000xf32>
    %get3A_10 = vector.shape_cast %get3A_9 : vector<1x1000x1000xf32> to vector<1000x1000xf32>
    %get3A_11 = arith.constant 1 : index
    %get3A_12 = arith.constant 0 : index
    %get3A_13 = arith.constant 0 : index
    %get3A_14 = vector.load %arg1[%get3A_11, %get3A_12, %get3A_13] : memref<2x1000x1000xf32, #tpu.memory_space<vmem>>, vector<1x1000x1000xf32>
    %get3A_15 = vector.shape_cast %get3A_14 : vector<1x1000x1000xf32> to vector<1000x1000xf32>
    %add3A_16 = arith.addf %get3A_10, %get3A_15 : vector<1000x1000xf32>
    %reduce_sum3A_17 = arith.constant dense<0.000000e+00> : vector<1000xf32>
    %reduce_sum3A_18 = vector.multi_reduction <add>, %add3A_16, %reduce_sum3A_17 [1] : vector<1000x1000xf32> to vector<1000xf32>
    %broadcast_in_dim3A_19 = vector.shape_cast %reduce_sum3A_18 : vector<1000xf32> to vector<1000x1xf32>
    %mul3A = arith.mulf %broadcast_in_dim3A_19, %add3A : vector<1000x1xf32>
    %reduce_sum3A_20 = vector.shape_cast %mul3A : vector<1000x1xf32> to vector<1x1000x1xf32>
    %reduce_sum3A_21 = arith.constant dense<0.000000e+00> : vector<1xf32>
    %reduce_sum3A_22 = vector.multi_reduction <add>, %reduce_sum3A_20, %reduce_sum3A_21 [1, 2] : vector<1x1000x1xf32> to vector<1xf32>
    %reduce_sum3A_23 = vector.shape_cast %reduce_sum3A_22 : vector<1xf32> to vector<1x1x1xf32>
    %reduce_sum3A_24 = vector.extract %reduce_sum3A_23[0, 0, 0] : f32 from vector<1x1x1xf32>
    %mul3A_25 = arith.mulf %add3A_16, %get3A_1 : vector<1000x1000xf32>
    %reduce_sum3A_26 = vector.shape_cast %mul3A_25 : vector<1000x1000xf32> to vector<1x1000x1000xf32>
    %reduce_sum3A_27 = arith.constant dense<0.000000e+00> : vector<1xf32>
    %reduce_sum3A_28 = vector.multi_reduction <add>, %reduce_sum3A_26, %reduce_sum3A_27 [1, 2] : vector<1x1000x1000xf32> to vector<1xf32>
    %reduce_sum3A_29 = vector.shape_cast %reduce_sum3A_28 : vector<1xf32> to vector<1x1x1xf32>
    %reduce_sum3A_30 = vector.extract %reduce_sum3A_29[0, 0, 0] : f32 from vector<1x1x1xf32>
    %sub3A_31 = arith.subf %reduce_sum3A_24, %reduce_sum3A_30 : f32
    %div3A = arith.constant 5.120000e+04 : f32
    %div3A_32 = arith.divf %sub3A_31, %div3A : f32
    %reshape3A = vector.broadcast %div3A_32 : f32 to vector<1x1xf32>
    %swap3A = arith.constant 0 : index
    %swap3A_33 = arith.constant 0 : index
    %swap3A_34 = vector.load %arg2[%swap3A, %swap3A_33] : memref<1x1xf32, #tpu.memory_space<vmem>>, vector<1x1xf32>
    tpu.vector_store %arg2[%swap3A, %swap3A_33], %reshape3A {strides = array<i32>} : memref<1x1xf32, #tpu.memory_space<vmem>>, vector<1x1xf32>,
    return
  }
}

</mosaic_0001>

<sc_bundles>
// kernel: kernel.5.cloned.1.call-start
scs
__scs_entry_jumppad:
0x0: {  	(pc) =	sbr.rel $0x88, $3  }
0x1: {  	(tag) =	ssettag $0x0;
	lr =	simm.s32 $0x1  }
0x2: {  	[smem:$0x3F9E] =	sst lr;
	_ =	strace $0xD0000000  }
0x3: {  	_ = 	snop  }
0x4: {  	_ = 	snop  }
0x5: {  	_ = 	snop  }
0x6: {  	_ = 	snop  }
0x7: {  	_ = 	snop  }
__scs_overlays_trampoline_lowered:
0x8: {  	[smem:$0x3FAD] =	sst s0  }
0x9: {  	[smem:$0x3FAE] =	sst s1  }
0xa: {  	[smem:$0x3FAF] =	sst s2  }
0xb: {  	[smem:$0x3FB0] =	sst s3  }
0xc: {  	[smem:$0x3FB1] =	sst s4  }
0xd: {  	[smem:$0x3FB2] =	sst s5  }
0xe: {  	[smem:$0x3FB3] =	sst s6  }
0xf: {  	[smem:$0x3FB4] =	sst s7  }
0x10: {  	[smem:$0x3FB5] =	sst s8  }
0x11: {  	[smem:$0x3FB6] =	sst s9;
	s0 =	simm.s32 @!p0 $0x0  }
0x12: {  	s1 =	sld [smem:$0x3F9C];
	s0 =	simm.s32 @p0 $0x1  }
0x13: {  	[smem:$0x3FB7] =	sst s0;
	s0 =	simm.s32 @!p1 $0x0  }
0x14: {  	s2 =	sld [smem:$0x3F9B];
	s0 =	simm.s32 @p1 $0x1  }
0x15: {  	[smem:$0x3FB8] =	sst s0;
	s0 =	simm.s32 @!p2 $0x0  }
0x16: {  	s3 =	sld [smem:$0x3FDB];
	s0 =	simm.s32 @p2 $0x1  }
0x17: {  	s4 =	simm.s32 $0x1BF5;
	[smem:$0x3FBA] =	sst s0  }
0x18: {  	s0 =	sld [smem:$0x3F9D];
	_ =	swait.ge [sflag:s4], $0x0  }
0x19: {  	s7 =	sld [smem:$0x3F9E]  }
0x1a: {  	s8 =	sadd.s32 $0xFFFFE003, lr  }
0x1b: {  	s9 =	sadd.s32 $0xFFFFFEF7, lr;
	s5 =	simm.s32 $0xFFFFFFFF;
	p2 =	slt.u32 s8, $0xFFFFF086  }
0x1c: {  	p1 =	slt.u32 s9, $0xF7A;
	s5 =	simm.s32 @!p2 $0x0  }
0x1d: {  	s5 =	simm.s32 @p1 $0x1;
	p0 =	seq.s32 s7, s2  }
0x1e: {  	s7 =	smul.u32 @!p0 $0xF7A, s2;
	p2 =	seq.s32 @!p0 s5, $0x0  }
0x1f: {  	s9 =	smul.u32 $0xF7A, s1;
	s8 =	simm.s32 @!p0 $0x1BF5;
	p2 =	por !p2, p0  }
0x20: {  	[sflag:s8] =	ssyncset.s32 @!p0 $0xFFFFF086;
	s6 =	sadd.s32 @!p0 s3, s7;
	s7 =	simm.s32 @!p0 $0x108  }
0x21: {  	s3 =	sadd.s32 s3, s9;
	s6 =	sadd.s32 @!p0 $0x88, s6;
	s7 =	simm.s32 @p2 $0x1082  }
0x22: {  	[simem:s7], [sflag:s8] =	dma.local @!p0 [hbm:s6], $0xF7A  }
0x23: {  	s9 =	sor.u32 $0xD0000000, s2;
	s6 =	simm.s32 $0x108;
	_ =	swait.ge @!p0 [sflag:s8], $0x0  }
0x24: {  	s3 =	sadd.s32 $0x88, s3;
	s6 =	simm.s32 @!p1 $0x1082;
	[sflag:s4] =	ssyncset.s32 $0xFFFFF086  }
0x25: {  	[simem:s6], [sflag:s4] =	dma.local [hbm:s3], $0xF7A  }
0x26: {  	[smem:$0x3F9E] =	sst s1;
	(tag) =	ssettag s2;
	_ =	strace s9  }
0x27: {  	s1 =	sld [smem:$0x3FAE]  }
0x28: {  	s2 =	sld [smem:$0x3FAF]  }
0x29: {  	s4 =	sld [smem:$0x3FB1]  }
0x2a: {  	p0 =	seq.s32 s5, $0x0;
	s5 =	sld [smem:$0x3FB2]  }
0x2b: {  	s6 =	sld [smem:$0x3FB3]  }
0x2c: {  	s7 =	sld [smem:$0x3FB4]  }
0x2d: {  	s3 =	simm.s32 $0x108;
	s8 =	sld [smem:$0x3FB5]  }
0x2e: {  	s3 =	simm.s32 @!p0 $0x1082;
	s9 =	sld [smem:$0x3FB6]  }
0x2f: {  	lr =	sadd.s32 s0, s3;
	s0 =	sld [smem:$0x3FAD]  }
0x30: {  	s3 =	sld [smem:$0x3FB0]  }
0x31: {  	[smem:$0x3FB9] =	sst s10  }
0x32: {  	s10 =	sld [smem:$0x3FB7];
	_ =	sdelay $0x3  }
0x33: {  	p0 =	seq.s32 s10, $0x1;
	s10 =	sld [smem:$0x3FB9];
	_ =	sdelay $0x3  }
0x34: {  	[smem:$0x3FB9] =	sst s10  }
0x35: {  	s10 =	sld [smem:$0x3FB8];
	_ =	sdelay $0x3  }
0x36: {  	p1 =	seq.s32 s10, $0x1;
	s10 =	sld [smem:$0x3FB9];
	_ =	sdelay $0x3  }
0x37: {  	[smem:$0x3FB9] =	sst s10  }
0x38: {  	s10 =	sld [smem:$0x3FBA]  }
0x39: {  	_ = 	snop;
	(pc) =	sbr.ind lr, $3  }
0x3a: {  	_ = 	snop  }
0x3b: {  	_ = 	snop  }
0x3c: {  	p2 =	seq.s32 s10, $0x1;
	s10 =	sld [smem:$0x3FB9]  }
0x3d: {  	_ =	shalt  }
0x3e: {  	_ =	shalt  }
0x3f: {  	_ =	shalt  }
0x40: {  	_ =	shalt  }
0x41: {  	_ =	shalt  }
0x42: {  	_ =	shalt  }
0x43: {  	_ =	shalt  }
0x44: {  	_ =	shalt  }
0x45: {  	_ =	shalt  }
0x46: {  	_ =	shalt  }
0x47: {  	_ =	shalt  }
0x48: {  	_ =	shalt  }
0x49: {  	_ =	shalt  }
0x4a: {  	_ =	shalt  }
0x4b: {  	_ =	shalt  }
0x4c: {  	_ =	shalt  }
0x4d: {  	_ =	shalt  }
0x4e: {  	_ =	shalt  }
0x4f: {  	_ =	shalt  }
0x50: {  	_ =	shalt  }
0x51: {  	_ =	shalt  }
0x52: {  	_ =	shalt  }
0x53: {  	_ =	shalt  }
0x54: {  	_ =	shalt  }
0x55: {  	_ =	shalt  }
0x56: {  	_ =	shalt  }
0x57: {  	_ =	shalt  }
0x58: {  	_ =	shalt  }
0x59: {  	_ =	shalt  }
0x5a: {  	_ =	shalt  }
0x5b: {  	_ =	shalt  }
0x5c: {  	_ =	shalt  }
0x5d: {  	_ =	shalt  }
0x5e: {  	_ =	shalt  }
0x5f: {  	_ =	shalt  }
0x60: {  	_ =	shalt  }
0x61: {  	_ =	shalt  }
0x62: {  	_ =	shalt  }
0x63: {  	_ =	shalt  }
0x64: {  	_ =	shalt  }
0x65: {  	_ =	shalt  }
0x66: {  	_ =	shalt  }
0x67: {  	_ =	shalt  }
0x68: {  	_ =	shalt  }
0x69: {  	_ =	shalt  }
0x6a: {  	_ =	shalt  }
0x6b: {  	_ =	shalt  }
0x6c: {  	_ =	shalt  }
0x6d: {  	_ =	shalt  }
0x6e: {  	_ =	shalt  }
0x6f: {  	_ =	shalt  }
0x70: {  	_ =	shalt  }
0x71: {  	_ =	shalt  }
0x72: {  	_ =	shalt  }
0x73: {  	_ =	shalt  }
0x74: {  	_ =	shalt  }
0x75: {  	_ =	shalt  }
0x76: {  	_ =	shalt  }
0x77: {  	_ =	shalt  }
0x78: {  	_ =	shalt  }
0x79: {  	_ =	shalt  }
0x7a: {  	_ =	shalt  }
0x7b: {  	_ =	shalt  }
0x7c: {  	_ =	shalt  }
0x7d: {  	_ =	shalt  }
0x7e: {  	_ =	shalt  }
0x7f: {  	_ =	shalt  }
0x80: {  	_ =	shalt  }
0x81: {  	_ =	shalt  }
0x82: {  	_ =	shalt  }
0x83: {  	_ =	shalt  }
0x84: {  	_ =	shalt  }
0x85: {  	_ =	shalt  }
0x86: {  	_ =	shalt  }
0x87: {  	_ =	shalt  }
.Lfunc_end0:
.L_simem_size_0:
called_computation.1_lowered:
.L_overlay_start_0:
0x88: {  	s2 =	sld [smem:$0x3FD9]  }
0x89: {  	s3 =	sld [smem:$0x3FFE];
	_ =	sdelay $0x1  }
0x8a: {  	s1 =	srdreg.scid  }
0x8b: {  	s0 =	sand.u32 $0x1, s1  }
0x8c: {  	s17 =	sshll.u32 s0, $0xA;
	s2 =	sadd.s32 s3, s2  }
0x8d: {  	s2 =	sadd.s32 s2, s17  }
0x8e: {  	[smem:$0x3FC5] =	sst s2  }
0x8f: {  	_ = 	snop  }
0x90: {  	(tm) =	ssettm $0x1  }
0x91: {  	s18 =	sld [smem:$0x3FFB];
	_ =	sdelay $0x3  }
0x92: {  	_ =	strace s18  }
0x93: {  	s2 =	sld [smem:$0x3FFC];
	_ =	sdelay $0x3  }
0x94: {  	_ =	strace s2  }
0x95: {  	s2 =	sld [smem:$0x3FFD];
	_ =	sdelay $0x3  }
0x96: {  	_ =	strace s2  }
0x97: {  	_ =	strace $0x8FFFFFFF  }
0x98: {  	s19 =	sld [smem:$0x3FDB];
	_ =	sdelay $0x1  }
0x99: {  	s20 =	simm.s32 $_scs_section_size  }
0x9a: {  	s4 =	simm.s32 $_size__tile_overlayer_lowered;
	s5 =	simm.s32 $_tile_overlayer_lowered  }
0x9b: {  	s6 =	simm.s32 $0x1BFF;
	s21 =	sshll.u32 s5, $0x1;
	s3 =	sadd.s32 s20, s19  }
0x9c: {  	s22 =	simm.s32 $0x0;
	s4 =	sshll.u32 s4, $0x1;
	s5 =	sadd.s32 s21, s3  }
0x9d: {  	[timem:s22], [sflag:s6] =	dma.local [hbm:s5], s4  }
0x9e: {  	_ =	swait.ge [sflag:s6], s4  }
0x9f: {  	s4 =	ssub.s32 $0x0, s4;
	[sflag:s6] =	ssyncset.done $0x0  }
0xa0: {  	[sflag:s6] =	ssyncadd.s32 s4;
	_ =	sdelay $0x1  }
0xa1: {  	s23 =	simm.s32 $0x1B8B  }
0xa2: {  	_ =	swait.ge [sflag:s23], $0x1  }
0xa3: {  	[sflag:s23] =	ssyncset.done $0x0  }
0xa4: {  	[sflag:s23] =	ssyncadd.s32 $0xFFFFFFFF  }
0xa5: {  	s4 =	sld [smem:$0x0]  }
0xa6: {  	s5 =	sand.u32 $0xFFFFFFFE, s1  }
0xa7: {  	p0 =	sne.s32 s1, s5  }
0xa8: {  	s5 =	sshll.u32 @p0 s5, $0xE  }
0xa9: {  	s5 =	sadd.s32 @p0 $0x11B8D, s5;
	s6 =	sshll.u32 @p0 s4, $0x11  }
0xaa: {  	s5 =	sor.u32 @p0 s6, s5  }
0xab: {  	[sflag:s5] =	ssyncadd.remote.s32 @p0 $0x1;
	_ =	sdelay $0x1  }
0xac: {  	s5 =	simm.s32 @p0 $0x1B8D  }
0xad: {  	_ =	swait.eq @p0 [sflag:s5], $0x1  }
0xae: {  	[sflag:s5] =	ssyncadd.s32 @p0 $0xFFFFFFFF  }
0xaf: {  	s6 =	sshll.u32 @!p0 s1, $0xE  }
0xb0: {  	s6 =	sor.u32 @!p0 $0x4000, s6;
	s5 =	simm.s32 @!p0 $0x1B8D  }
0xb1: {  	s4 =	sshll.u32 @!p0 s4, $0x11;
	s6 =	sadd.s32 @!p0 $0x11B8D, s6;
	_ =	swait.eq @!p0 [sflag:s5], $0x1  }
0xb2: {  	s4 =	sor.u32 @!p0 s4, s6;
	[sflag:s5] =	ssyncadd.s32 @!p0 $0xFFFFFFFF  }
0xb3: {  	s25 =	simm.s32 $0x1B8E;
	s24 =	sld [smem:$0x3FFE];
	[sflag:s4] =	ssyncadd.remote.s32 @!p0 $0x1  }
0xb4: {  	s26 =	simm.s32 $execute0_lowered;
	[smem:$0x3FD2] =	sst s25  }
0xb5: {  	s5 =	sshll.u32 s26, $0x1;
	_ =	strace $0x80000049;
	[dreg:$0x1] =	wrdreg $0xFFFFFFFF  }
0xb6: {  	s28 =	simm.s32 $_size_execute0_lowered;
	s3 =	sadd.s32 s3, s5;
	[dreg:$0x0] =	wrdreg $0x0  }
0xb7: {  	s5 =	sshll.u32 s28, $0x1;
	[dreg:$0x2] =	wrdreg s3  }
0xb8: {  	[dreg:$0x3] =	wrdreg s5  }
0xb9: {  	[dreg:$0x4] =	wrdreg $0xC0  }
0xba: {  	_ =	task [dreg:s22], $0x5FFFF  }
0xbb: {  	[dreg:$0x1] =	wrdreg $0xFFFFFFFF  }
0xbc: {  	[dreg:$0x0] =	wrdreg $0x60  }
0xbd: {  	[dreg:$0x2] =	wrdreg s24  }
0xbe: {  	[dreg:$0x3] =	wrdreg $0xD000  }
0xbf: {  	[dreg:$0x4] =	wrdreg $0x9  }
0xc0: {  	_ =	task.clear_ibuf [dreg:s22], $0x5FFFF;
	_ =	strace $0x90000049  }
0xc1: {  	s29 =	simm.s32 $0x9;
	_ =	strace $0x8000004B  }
0xc2: {  	_ =	swait.ge [sflag:s29], $0x1  }
0xc3: {  	[sflag:s29] =	ssyncadd.s32 $0xFFFFFFFF  }
0xc4: {  	_ =	strace $0x9000004B  }
0xc5: {  	_ =	sfence  }
0xc6: {  	s30 =	sld [smem:$0x0];
	_ =	sdelay $0x2  }
0xc7: {  	s31 =	sshll.u32 s1, $0xD;
	s1 =	sshrl.u32 s1, $0x2  }
0xc8: {  	s4 =	sand.u32 $0x4000, s31;
	s1 =	sadd.s32 s1, s30  }
0xc9: {  	s0 =	sor.u32 s4, s0;
	s1 =	sshll.u32 s1, $0x11  }
0xca: {  	s0 =	sor.u32 s1, s0  }
0xcb: {  	s0 =	sadd.s32 $0x8F2B, s0  }
0xcc: {  	[sflag:s0] =	ssyncadd.remote.s32 $0x1  }
0xcd: {  	_ =	sfence.sel $0xFFFF  }
0xce: {  	[dreg:$0x0] =	wrdreg $0xFFFFFFFF;
	(pc) =	sbr.abs _section_cstart, $3  }
0xcf: {  	[dreg:$0x1] =	wrdreg $0xFFFFFFFF  }
0xd0: {  	_ =	task.clear_ibuf [dreg:s22], $0x2FFFF;
	_ =	strace $0x9FFFFFFF  }
0xd1: {  	(tm) =	ssettm $0x7FFFFFFF  }
tec
execute0_lowered:
.L_overlay_start_1:
0x0: {  	(tag) =	ssettag $0x1  }
0x1: {  	s0 =	srdreg.scid;
	s4 =	rddreg [dreg:$0x0]  }
0x2: {  	s6 =	stileid.u32;
	s1 =	rddreg [dreg:$0x1]  }
0x3: {  	s2 =	simm.s32 $0x0;
	s10 =	simm.s32 $0x640;
	s11 =	simm.s32 $0x40  }
0x4: {  	s12 =	simm.s32 $0xC80;
	s13 =	simm.s32 $0xCC0;
	s14 =	simm.s32 $0x0  }
0x5: {  	s3 =	sand.u32 $0x1, s0;
	s31 =	sshll.u32 s6, $0x1;
	s0 =	rddreg [dreg:$0x2]  }
0x6: {  	[smem:$0x7FF] =	sst s2;
	p0 =	sne.s32 s6, $0x0;
	s5 =	sor.u32 s3, s31  }
0x7: {  	s7 =	smul.u32 $0x1E848, s3;
	s8 =	ssub.s32 $0x2, s3;
	_ =	strace $0x8000004A  }
0x8: {  	s3 =	sadd.s32 $0x663A00, s4;
	s5 =	smul.u32 $0xC8, s5;
	s9 =	sshrl.u32 s8, $0x1  }
0x9: {  	s7 =	sadd.s32 s7, s4;
	s8 =	ssub.s32 s8, s9;
	s9 =	simm.s32 $0x1  }
0xa: {  	s5 =	sadd.s32 s5, s4;
	s6 =	sadd.s32 $0x682400, s7;
	s7 =	smax.u32 s8, $0x1  }
0xb: {  	v0 =	vimm.f32 $1.000000000e+00;
	s8 =	sshrl.u32 @!p0 s1, $0x3;
	s4 =	sadd.s32 $0x1200, s5;
	s5 =	sadd.s32 $0x662000, s5  }
.LBB2_1:
0xc: {  	s15 =	simm.s32 @!p0 $0x1C01  }
0xd: {  	[spmem:s8], [sflag:s15] =	dma.local @!p0 [hbm:s3], $0x1E848  }
0xe: {  	s15 =	simm.s32 @!p0 $0x1  }
0xf: {  	_ =	swait.ge @!p0 [sflag:s15], $0x1E848  }
0x10: {  	[sflag:s15] =	ssyncset.done @!p0 $0x0  }
0x11: {  	[sflag:s15] =	ssyncadd.s32 @!p0 $0xFFFE17B8  }
0x12: {  	[bflag:$0x0] =	sbarrier.arrive $0xFFFF  }
0x13: {  	[tilespmem:s2], [sflag:$0x1] =	stream.linear.gather [hbm4b:s4+s2], $0x640, $0x38;
	[tilespmem:$0x10128] =	vst v63  }
0x14: {  	_ =	swait.ge [sflag:s9], $0x640  }
0x15: {  	[sflag:s9] =	ssyncset.done $0x0  }
0x16: {  	[sflag:s9] =	ssyncadd.s32 $0xFFFFF9C0  }
0x17: {  	[tilespmem:s10], [sflag:$0x1] =	stream.linear.gather [hbm4b:s5+s2], $0x640, $0x38;
	[tilespmem:$0x10128] =	vst v63  }
0x18: {  	_ =	swait.ge [sflag:s9], $0x640  }
0x19: {  	[sflag:s9] =	ssyncset.done $0x0  }
0x1a: {  	[sflag:s9] =	ssyncadd.s32 $0xFFFFF9C0  }
0x1b: {  	[tilespmem:$0xCC0] =	vst v0  }
0x1c: {  	[tilespmem:$0xCD0] =	vst v0  }
0x1d: {  	[tilespmem:$0xCE0] =	vst v0  }
0x1e: {  	s31 =	simm.s32 $0x0;
	[tilespmem:$0xCF0] =	vst v0  }
0x1f: {  	v1 =	vld [tilespmem:s31+$0x0];
	_ =	sdelay $0x1  }
0x20: {  	v2 =	vld [tilespmem:s31+$0x640];
	_ =	sdelay $0x2  }
0x21: {  	v1 =	vmul.u32 $0x3E8, v1;
	_ =	sdelay $0x1  }
0x22: {  	v1 =	vadd.s32 v2, v1  }
0x23: {  	[tilespmem:$0xC80] =	vst v1  }
0x24: {  	v1 =	vld [tilespmem:s31+$0x10];
	_ =	sdelay $0x1  }
0x25: {  	v2 =	vld [tilespmem:s31+$0x650];
	_ =	sdelay $0x2  }
0x26: {  	v1 =	vmul.u32 $0x3E8, v1;
	_ =	sdelay $0x1  }
0x27: {  	v1 =	vadd.s32 v2, v1  }
0x28: {  	[tilespmem:$0xC90] =	vst v1  }
0x29: {  	v1 =	vld [tilespmem:s31+$0x20];
	_ =	sdelay $0x1  }
0x2a: {  	v2 =	vld [tilespmem:s31+$0x660];
	_ =	sdelay $0x2  }
0x2b: {  	v1 =	vmul.u32 $0x3E8, v1;
	_ =	sdelay $0x1  }
0x2c: {  	v1 =	vadd.s32 v2, v1  }
0x2d: {  	[tilespmem:$0xCA0] =	vst v1  }
0x2e: {  	v1 =	vld [tilespmem:s31+$0x30];
	_ =	sdelay $0x1  }
0x2f: {  	v2 =	vld [tilespmem:s31+$0x670];
	_ =	sdelay $0x2  }
0x30: {  	v1 =	vmul.u32 $0x3E8, v1;
	_ =	sdelay $0x1  }
0x31: {  	v1 =	vadd.s32 v2, v1  }
0x32: {  	[tilespmem:$0xCB0] =	vst v1  }
0x33: {  	[spmem:s1] =	stream.indirect.scatter.add.f32 [tilespmem:s13], [sflag:$0x1], $0x1, s12, s11, $0xb8;
	[tilespmem:$0x10128] =	vst v63  }
0x34: {  	_ =	swait.ge [sflag:s9], $0x40  }
0x35: {  	s17 =	simm.s32 $0x200;
	s15 =	simm.s32 $0x100;
	[sflag:s9] =	ssyncset.done $0x0  }
.LBB2_2:
0x36: {  	s18 =	sshra.s32 s15, $0x2  }
0x37: {  	[sflag:s9] =	ssyncadd.s32 $0xFFFFFFC0;
	s15 =	smov.u32 s17;
	s16 =	sadd.s32 $0x100, s17  }
0x38: {  	p1 =	sne.s32 s17, $0x1800;
	v1 =	vld [tilespmem:s18+$0x0];
	_ =	sdelay $0x1  }
0x39: {  	v2 =	vld [tilespmem:s18+$0x640];
	_ =	sdelay $0x2  }
0x3a: {  	v1 =	vmul.u32 $0x3E8, v1;
	_ =	sdelay $0x1  }
0x3b: {  	v1 =	vadd.s32 v2, v1  }
0x3c: {  	[tilespmem:$0xC80] =	vst v1  }
0x3d: {  	v1 =	vld [tilespmem:s18+$0x10];
	_ =	sdelay $0x1  }
0x3e: {  	v2 =	vld [tilespmem:s18+$0x650];
	_ =	sdelay $0x2  }
0x3f: {  	v1 =	vmul.u32 $0x3E8, v1;
	_ =	sdelay $0x1  }
0x40: {  	v1 =	vadd.s32 v2, v1  }
0x41: {  	[tilespmem:$0xC90] =	vst v1  }
0x42: {  	v1 =	vld [tilespmem:s18+$0x20];
	_ =	sdelay $0x1  }
0x43: {  	v2 =	vld [tilespmem:s18+$0x660];
	_ =	sdelay $0x2  }
0x44: {  	v1 =	vmul.u32 $0x3E8, v1;
	_ =	sdelay $0x1  }
0x45: {  	v1 =	vadd.s32 v2, v1  }
0x46: {  	[tilespmem:$0xCA0] =	vst v1  }
0x47: {  	v1 =	vld [tilespmem:s18+$0x30];
	_ =	sdelay $0x1  }
0x48: {  	v2 =	vld [tilespmem:s18+$0x670];
	_ =	sdelay $0x2  }
0x49: {  	v1 =	vmul.u32 $0x3E8, v1;
	_ =	sdelay $0x1  }
.Ltmp0:
0x4a: {  	v1 =	vadd.s32 v2, v1;
	(pc) =	sbr.rel @p1 .LBB2_2-.Ltmp0, $4  }
0x4b: {  	[tilespmem:$0xCB0] =	vst v1  }
0x4c: {  	[spmem:s1] =	stream.indirect.scatter.add.f32 [tilespmem:s13], [sflag:$0x1], $0x1, s12, s11, $0xb8;
	[tilespmem:$0x10128] =	vst v63  }
0x4d: {  	_ =	swait.ge [sflag:s9], $0x40  }
0x4e: {  	s17 =	smov.u32 s16;
	[sflag:s9] =	ssyncset.done $0x0  }
0x4f: {  	s15 =	sshra.s32 s15, $0x2;
	[sflag:s9] =	ssyncadd.s32 $0xFFFFFFC0  }
0x50: {  	v1 =	vld [tilespmem:s15+$0x0];
	_ =	sdelay $0x1  }
0x51: {  	v2 =	vld [tilespmem:s15+$0x640];
	_ =	sdelay $0x2  }
0x52: {  	v1 =	vmul.u32 $0x3E8, v1;
	_ =	sdelay $0x1  }
0x53: {  	v1 =	vadd.s32 v2, v1  }
0x54: {  	[tilespmem:$0xC80] =	vst v1  }
0x55: {  	v1 =	vld [tilespmem:s15+$0x10];
	_ =	sdelay $0x1  }
0x56: {  	v2 =	vld [tilespmem:s15+$0x650];
	_ =	sdelay $0x2  }
0x57: {  	v1 =	vmul.u32 $0x3E8, v1;
	_ =	sdelay $0x1  }
0x58: {  	v1 =	vadd.s32 v2, v1  }
0x59: {  	[tilespmem:$0xC90] =	vst v1  }
0x5a: {  	v1 =	vld [tilespmem:s15+$0x20];
	_ =	sdelay $0x1  }
0x5b: {  	v2 =	vld [tilespmem:s15+$0x660];
	_ =	sdelay $0x2  }
0x5c: {  	v1 =	vmul.u32 $0x3E8, v1;
	_ =	sdelay $0x1  }
0x5d: {  	v1 =	vadd.s32 v2, v1  }
0x5e: {  	[tilespmem:$0xCA0] =	vst v1  }
0x5f: {  	v1 =	vld [tilespmem:s15+$0x30];
	_ =	sdelay $0x1  }
0x60: {  	v2 =	vld [tilespmem:s15+$0x670];
	_ =	sdelay $0x2  }
0x61: {  	v1 =	vmul.u32 $0x3E8, v1;
	_ =	sdelay $0x1  }
0x62: {  	v1 =	vadd.s32 v2, v1  }
0x63: {  	[tilespmem:$0xCB0] =	vst v1  }
0x64: {  	[spmem:s1] =	stream.indirect.scatter.add.f32 [tilespmem:s13], [sflag:$0x1], $0x1, s12, s11, $0xb8;
	[tilespmem:$0x10128] =	vst v63  }
0x65: {  	_ =	swait.ge [sflag:s9], $0x40  }
0x66: {  	[sflag:s9] =	ssyncset.done $0x0  }
0x67: {  	s14 =	sadd.s32 $0x1, s14;
	[sflag:s9] =	ssyncadd.s32 $0xFFFFFFC0  }
0x68: {  	p1 =	sne.s32 s14, s7;
	s15 =	simm.s32 @!p0 $0x1C01;
	[bflag:$0x0] =	sbarrier.arrive $0xFFFF  }
0x69: {  	[hbm:s6], [sflag:s15] =	dma.local @!p0 [spmem:s8], $0x1E848  }
.Ltmp1:
0x6a: {  	_ = 	snop;
	(pc) =	sbr.rel @p1 .LBB2_1-.Ltmp1, $4  }
0x6b: {  	s15 =	simm.s32 @!p0 $0x1  }
0x6c: {  	_ =	swait.ge @!p0 [sflag:s15], $0x1E848  }
0x6d: {  	[sflag:s15] =	ssyncset.done @!p0 $0x0  }
0x6e: {  	[sflag:s15] =	ssyncadd.s32 @!p0 $0xFFFE17B8  }
0x6f: {  	_ =	sfence.sel $0x180000  }
0x70: {  	[bflag:$0x0] =	sbarrier.arrive $0xFFFF  }
0x71: {  	_ =	strace $0x9000004A  }
0x72: {  	s0 =	sadd.s32 @!p0 $0x100000, s0;
	[bflag:$0x2] =	sbarrier.arrive $0xFFFF  }
0x73: {  	[sflag:s0] =	ssyncadd.tile.s32 @!p0 $0x1;
	_ =	shalt  }
.Lfunc_end2:
_tile_overlayer_lowered:
.L_overlay_start_2:
0x74: {  	(tag) =	ssettag $0x2  }
0x75: {  	s0 =	rddreg [dreg:$0x0];
	s2 =	stileid.u32  }
0x76: {  	s1 =	rddreg [dreg:$0x1];
	p0 =	sne.s32 s2, $0x0  }
0x77: {  	s3 =	rddreg [dreg:$0x2];
	[bflag:$0x3] =	sbarrier.arrive $0xFFFF;
	s2 =	simm.s32 @!p0 $0x1C01  }
0x78: {  	[timem:s3], [sflag:s2] =	dma.local @!p0 [hbm:s0], s1  }
0x79: {  	s0 =	simm.s32 @!p0 $0x1  }
0x7a: {  	_ =	swait.ge @!p0 [sflag:s0], s1  }
0x7b: {  	s1 =	ssub.s32 @!p0 $0x0, s1;
	[sflag:s0] =	ssyncset.done @!p0 $0x0  }
0x7c: {  	[sflag:s0] =	ssyncadd.s32 @!p0 s1  }
0x7d: {  	[bflag:$0x3] =	sbarrier.arrive $0xFFFF  }
0x7e: {  	_ =	shalt  }

// kernel: kernel.8.cloned.1.call-start
scs
__scs_entry_jumppad:
0x0: {  	(pc) =	sbr.rel $0x88, $3  }
0x1: {  	(tag) =	ssettag $0x0;
	lr =	simm.s32 $0x1  }
0x2: {  	[smem:$0x3F9E] =	sst lr;
	_ =	strace $0xD0000000  }
0x3: {  	_ = 	snop  }
0x4: {  	_ = 	snop  }
0x5: {  	_ = 	snop  }
0x6: {  	_ = 	snop  }
0x7: {  	_ = 	snop  }
__scs_overlays_trampoline_lowered:
0x8: {  	[smem:$0x3FAD] =	sst s0  }
0x9: {  	[smem:$0x3FAE] =	sst s1  }
0xa: {  	[smem:$0x3FAF] =	sst s2  }
0xb: {  	[smem:$0x3FB0] =	sst s3  }
0xc: {  	[smem:$0x3FB1] =	sst s4  }
0xd: {  	[smem:$0x3FB2] =	sst s5  }
0xe: {  	[smem:$0x3FB3] =	sst s6  }
0xf: {  	[smem:$0x3FB4] =	sst s7  }
0x10: {  	[smem:$0x3FB5] =	sst s8  }
0x11: {  	[smem:$0x3FB6] =	sst s9;
	s0 =	simm.s32 @!p0 $0x0  }
0x12: {  	s1 =	sld [smem:$0x3F9C];
	s0 =	simm.s32 @p0 $0x1  }
0x13: {  	[smem:$0x3FB7] =	sst s0;
	s0 =	simm.s32 @!p1 $0x0  }
0x14: {  	s2 =	sld [smem:$0x3F9B];
	s0 =	simm.s32 @p1 $0x1  }
0x15: {  	[smem:$0x3FB8] =	sst s0;
	s0 =	simm.s32 @!p2 $0x0  }
0x16: {  	s3 =	sld [smem:$0x3FDB];
	s0 =	simm.s32 @p2 $0x1  }
0x17: {  	s4 =	simm.s32 $0x1BF5;
	[smem:$0x3FBA] =	sst s0  }
0x18: {  	s0 =	sld [smem:$0x3F9D];
	_ =	swait.ge [sflag:s4], $0x0  }
0x19: {  	s7 =	sld [smem:$0x3F9E]  }
0x1a: {  	s8 =	sadd.s32 $0xFFFFE003, lr  }
0x1b: {  	s9 =	sadd.s32 $0xFFFFFEF7, lr;
	s5 =	simm.s32 $0xFFFFFFFF;
	p2 =	slt.u32 s8, $0xFFFFF086  }
0x1c: {  	p1 =	slt.u32 s9, $0xF7A;
	s5 =	simm.s32 @!p2 $0x0  }
0x1d: {  	s5 =	simm.s32 @p1 $0x1;
	p0 =	seq.s32 s7, s2  }
0x1e: {  	s7 =	smul.u32 @!p0 $0xF7A, s2;
	p2 =	seq.s32 @!p0 s5, $0x0  }
0x1f: {  	s9 =	smul.u32 $0xF7A, s1;
	s8 =	simm.s32 @!p0 $0x1BF5;
	p2 =	por !p2, p0  }
0x20: {  	[sflag:s8] =	ssyncset.s32 @!p0 $0xFFFFF086;
	s6 =	sadd.s32 @!p0 s3, s7;
	s7 =	simm.s32 @!p0 $0x108  }
0x21: {  	s3 =	sadd.s32 s3, s9;
	s6 =	sadd.s32 @!p0 $0x88, s6;
	s7 =	simm.s32 @p2 $0x1082  }
0x22: {  	[simem:s7], [sflag:s8] =	dma.local @!p0 [hbm:s6], $0xF7A  }
0x23: {  	s9 =	sor.u32 $0xD0000000, s2;
	s6 =	simm.s32 $0x108;
	_ =	swait.ge @!p0 [sflag:s8], $0x0  }
0x24: {  	s3 =	sadd.s32 $0x88, s3;
	s6 =	simm.s32 @!p1 $0x1082;
	[sflag:s4] =	ssyncset.s32 $0xFFFFF086  }
0x25: {  	[simem:s6], [sflag:s4] =	dma.local [hbm:s3], $0xF7A  }
0x26: {  	[smem:$0x3F9E] =	sst s1;
	(tag) =	ssettag s2;
	_ =	strace s9  }
0x27: {  	s1 =	sld [smem:$0x3FAE]  }
0x28: {  	s2 =	sld [smem:$0x3FAF]  }
0x29: {  	s4 =	sld [smem:$0x3FB1]  }
0x2a: {  	p0 =	seq.s32 s5, $0x0;
	s5 =	sld [smem:$0x3FB2]  }
0x2b: {  	s6 =	sld [smem:$0x3FB3]  }
0x2c: {  	s7 =	sld [smem:$0x3FB4]  }
0x2d: {  	s3 =	simm.s32 $0x108;
	s8 =	sld [smem:$0x3FB5]  }
0x2e: {  	s3 =	simm.s32 @!p0 $0x1082;
	s9 =	sld [smem:$0x3FB6]  }
0x2f: {  	lr =	sadd.s32 s0, s3;
	s0 =	sld [smem:$0x3FAD]  }
0x30: {  	s3 =	sld [smem:$0x3FB0]  }
0x31: {  	[smem:$0x3FB9] =	sst s10  }
0x32: {  	s10 =	sld [smem:$0x3FB7];
	_ =	sdelay $0x3  }
0x33: {  	p0 =	seq.s32 s10, $0x1;
	s10 =	sld [smem:$0x3FB9];
	_ =	sdelay $0x3  }
0x34: {  	[smem:$0x3FB9] =	sst s10  }
0x35: {  	s10 =	sld [smem:$0x3FB8];
	_ =	sdelay $0x3  }
0x36: {  	p1 =	seq.s32 s10, $0x1;
	s10 =	sld [smem:$0x3FB9];
	_ =	sdelay $0x3  }
0x37: {  	[smem:$0x3FB9] =	sst s10  }
0x38: {  	s10 =	sld [smem:$0x3FBA]  }
0x39: {  	_ = 	snop;
	(pc) =	sbr.ind lr, $3  }
0x3a: {  	_ = 	snop  }
0x3b: {  	_ = 	snop  }
0x3c: {  	p2 =	seq.s32 s10, $0x1;
	s10 =	sld [smem:$0x3FB9]  }
0x3d: {  	_ =	shalt  }
0x3e: {  	_ =	shalt  }
0x3f: {  	_ =	shalt  }
0x40: {  	_ =	shalt  }
0x41: {  	_ =	shalt  }
0x42: {  	_ =	shalt  }
0x43: {  	_ =	shalt  }
0x44: {  	_ =	shalt  }
0x45: {  	_ =	shalt  }
0x46: {  	_ =	shalt  }
0x47: {  	_ =	shalt  }
0x48: {  	_ =	shalt  }
0x49: {  	_ =	shalt  }
0x4a: {  	_ =	shalt  }
0x4b: {  	_ =	shalt  }
0x4c: {  	_ =	shalt  }
0x4d: {  	_ =	shalt  }
0x4e: {  	_ =	shalt  }
0x4f: {  	_ =	shalt  }
0x50: {  	_ =	shalt  }
0x51: {  	_ =	shalt  }
0x52: {  	_ =	shalt  }
0x53: {  	_ =	shalt  }
0x54: {  	_ =	shalt  }
0x55: {  	_ =	shalt  }
0x56: {  	_ =	shalt  }
0x57: {  	_ =	shalt  }
0x58: {  	_ =	shalt  }
0x59: {  	_ =	shalt  }
0x5a: {  	_ =	shalt  }
0x5b: {  	_ =	shalt  }
0x5c: {  	_ =	shalt  }
0x5d: {  	_ =	shalt  }
0x5e: {  	_ =	shalt  }
0x5f: {  	_ =	shalt  }
0x60: {  	_ =	shalt  }
0x61: {  	_ =	shalt  }
0x62: {  	_ =	shalt  }
0x63: {  	_ =	shalt  }
0x64: {  	_ =	shalt  }
0x65: {  	_ =	shalt  }
0x66: {  	_ =	shalt  }
0x67: {  	_ =	shalt  }
0x68: {  	_ =	shalt  }
0x69: {  	_ =	shalt  }
0x6a: {  	_ =	shalt  }
0x6b: {  	_ =	shalt  }
0x6c: {  	_ =	shalt  }
0x6d: {  	_ =	shalt  }
0x6e: {  	_ =	shalt  }
0x6f: {  	_ =	shalt  }
0x70: {  	_ =	shalt  }
0x71: {  	_ =	shalt  }
0x72: {  	_ =	shalt  }
0x73: {  	_ =	shalt  }
0x74: {  	_ =	shalt  }
0x75: {  	_ =	shalt  }
0x76: {  	_ =	shalt  }
0x77: {  	_ =	shalt  }
0x78: {  	_ =	shalt  }
0x79: {  	_ =	shalt  }
0x7a: {  	_ =	shalt  }
0x7b: {  	_ =	shalt  }
0x7c: {  	_ =	shalt  }
0x7d: {  	_ =	shalt  }
0x7e: {  	_ =	shalt  }
0x7f: {  	_ =	shalt  }
0x80: {  	_ =	shalt  }
0x81: {  	_ =	shalt  }
0x82: {  	_ =	shalt  }
0x83: {  	_ =	shalt  }
0x84: {  	_ =	shalt  }
0x85: {  	_ =	shalt  }
0x86: {  	_ =	shalt  }
0x87: {  	_ =	shalt  }
.Lfunc_end0:
.L_simem_size_0:
called_computation.2_lowered:
.L_overlay_start_0:
0x88: {  	s2 =	sld [smem:$0x3FD9]  }
0x89: {  	s3 =	sld [smem:$0x3FFE];
	_ =	sdelay $0x1  }
0x8a: {  	s1 =	srdreg.scid  }
0x8b: {  	s0 =	sand.u32 $0x1, s1  }
0x8c: {  	s14 =	sshll.u32 s0, $0xA;
	s2 =	sadd.s32 s3, s2  }
0x8d: {  	s2 =	sadd.s32 s2, s14  }
0x8e: {  	[smem:$0x3FC5] =	sst s2  }
0x8f: {  	_ = 	snop  }
0x90: {  	s2 =	sld [smem:$0x3FD0];
	_ =	sdelay $0x2  }
0x91: {  	s15 =	simm.s32 $0xB;
	s4 =	simm.s32 $0x10  }
0x92: {  	[smem:s4], [sflag:s15] =	dma.local [hbm:s2], $0x1  }
0x93: {  	_ =	swait.eq [sflag:s15], $0x1  }
0x94: {  	[sflag:s15] =	ssyncset.done $0x0  }
0x95: {  	[sflag:s15] =	ssyncadd.s32 $0xFFFFFFFF  }
0x96: {  	s16 =	sld [smem:$0x10];
	(tm) =	ssettm $0x1  }
0x97: {  	s17 =	sld [smem:$0x3FFB];
	_ =	sdelay $0x3  }
0x98: {  	_ =	strace s17  }
0x99: {  	s3 =	sld [smem:$0x3FFC];
	_ =	sdelay $0x3  }
0x9a: {  	_ =	strace s3  }
0x9b: {  	s3 =	sld [smem:$0x3FFD];
	_ =	sdelay $0x3  }
0x9c: {  	_ =	strace s3  }
0x9d: {  	_ =	strace $0x8FFFFFFF  }
0x9e: {  	s18 =	sld [smem:$0x3FDB];
	_ =	sdelay $0x1  }
0x9f: {  	s19 =	simm.s32 $_scs_section_size  }
0xa0: {  	s5 =	simm.s32 $_size__tile_overlayer_lowered;
	s6 =	simm.s32 $_tile_overlayer_lowered  }
0xa1: {  	s22 =	simm.s32 $0x1BFF;
	s21 =	sshll.u32 s6, $0x1;
	s3 =	sadd.s32 s19, s18  }
0xa2: {  	s7 =	simm.s32 $0x0;
	s20 =	sshll.u32 s5, $0x1;
	s5 =	sadd.s32 s21, s3  }
0xa3: {  	[timem:s7], [sflag:s22] =	dma.local [hbm:s5], s20  }
0xa4: {  	_ =	swait.ge [sflag:s22], s20  }
0xa5: {  	s4 =	ssub.s32 $0x0, s20;
	[sflag:s22] =	ssyncset.done $0x0  }
0xa6: {  	[sflag:s22] =	ssyncadd.s32 s4;
	_ =	sdelay $0x1  }
0xa7: {  	s23 =	simm.s32 $0x1B8B  }
0xa8: {  	_ =	swait.ge [sflag:s23], $0x1  }
0xa9: {  	[sflag:s23] =	ssyncset.done $0x0  }
0xaa: {  	s25 =	simm.s32 $0x1B8E;
	s24 =	sld [smem:$0x3FFE];
	[sflag:s23] =	ssyncadd.s32 $0xFFFFFFFF  }
0xab: {  	s26 =	simm.s32 $execute0_lowered;
	[smem:$0x3FD2] =	sst s25  }
0xac: {  	s5 =	sshll.u32 s26, $0x1;
	_ =	strace $0x80000046;
	[dreg:$0x1] =	wrdreg $0xFFFFFFFF  }
0xad: {  	s28 =	simm.s32 $_size_execute0_lowered;
	s3 =	sadd.s32 s3, s5;
	[dreg:$0x0] =	wrdreg $0x0  }
0xae: {  	s5 =	sshll.u32 s28, $0x1;
	[dreg:$0x2] =	wrdreg s3  }
0xaf: {  	[dreg:$0x3] =	wrdreg s5  }
0xb0: {  	[dreg:$0x4] =	wrdreg $0xC0  }
0xb1: {  	_ =	task [dreg:s7], $0x5FFFF  }
0xb2: {  	[dreg:$0x1] =	wrdreg $0xFFFFFFFF  }
0xb3: {  	[dreg:$0x0] =	wrdreg $0x60  }
0xb4: {  	[dreg:$0x2] =	wrdreg s24  }
0xb5: {  	[dreg:$0x3] =	wrdreg s16  }
0xb6: {  	[dreg:$0x4] =	wrdreg $0xA  }
0xb7: {  	_ =	task.clear_ibuf [dreg:s7], $0x5FFFF;
	_ =	strace $0x90000046  }
0xb8: {  	s29 =	simm.s32 $0xA;
	_ =	strace $0x80000048  }
0xb9: {  	_ =	swait.ge [sflag:s29], $0x1  }
0xba: {  	[sflag:s29] =	ssyncadd.s32 $0xFFFFFFFF  }
0xbb: {  	_ =	strace $0x90000048  }
0xbc: {  	_ =	sfence  }
0xbd: {  	s30 =	sld [smem:$0x0];
	_ =	sdelay $0x2  }
0xbe: {  	s31 =	sshll.u32 s1, $0xD;
	s1 =	sshrl.u32 s1, $0x2  }
0xbf: {  	s3 =	sand.u32 $0x4000, s31;
	s1 =	sadd.s32 s1, s30  }
0xc0: {  	s0 =	sor.u32 s3, s0;
	s1 =	sshll.u32 s1, $0x11  }
0xc1: {  	s0 =	sor.u32 s1, s0  }
0xc2: {  	s0 =	sadd.s32 $0x8F2B, s0  }
0xc3: {  	[sflag:s0] =	ssyncadd.remote.s32 $0x1  }
0xc4: {  	_ =	sfence.sel $0xFFFF  }
0xc5: {  	[dreg:$0x0] =	wrdreg $0xFFFFFFFF;
	(pc) =	sbr.abs _section_cstart, $3  }
0xc6: {  	[dreg:$0x1] =	wrdreg $0xFFFFFFFF  }
0xc7: {  	_ =	task.clear_ibuf [dreg:s7], $0x2FFFF;
	_ =	strace $0x9FFFFFFF  }
0xc8: {  	(tm) =	ssettm $0x7FFFFFFF  }
0xc9: {  	_ =	shalt  }
tec
execute0_lowered:
.L_overlay_start_1:
0x0: {  	(tag) =	ssettag $0x1  }
0x1: {  	s0 =	srdreg.scid;
	s1 =	rddreg [dreg:$0x0]  }
0x2: {  	s13 =	stileid.u32;
	s4 =	rddreg [dreg:$0x1]  }
0x3: {  	s16 =	simm.s32 $0xE80;
	s29 =	simm.s32 $0x2E80;
	s28 =	simm.s32 $0x4680  }
0x4: {  	s14 =	simm.s32 $0x5680;
	s15 =	simm.s32 $0x6E80;
	s30 =	simm.s32 $0x7E80  }
0x5: {  	s31 =	simm.s32 $0x3;
	s0 =	sand.u32 $0x1, s0;
	s19 =	smul.u32 $0x64000, s13  }
0x6: {  	s2 =	sshll.u32 s13, $0x1;
	s9 =	sadd.s32 $0x22000, s1;
	s21 =	smul.u32 $0xC800, s13  }
0x7: {  	s13 =	simm.s32 $0x7680;
	s3 =	sor.u32 s0, s2;
	s23 =	smul.u32 $0x6400, s0  }
0x8: {  	s2 =	simm.s32 $0x0;
	s6 =	ssub.s32 $0x2, s0;
	s0 =	smul.u32 $0x32000, s0  }
0x9: {  	s8 =	smul.u32 $0x640, s3;
	[smem:$0x7FF] =	sst s2;
	s3 =	sadd.s32 $0x2C00, s1  }
0xa: {  	s7 =	sshrl.u32 s6, $0x1;
	s24 =	sadd.s32 s21, s4;
	s26 =	sadd.s32 s19, s9  }
0xb: {  	s19 =	simm.s32 $0x680;
	s21 =	simm.s32 $0xA680;
	_ =	strace $0x80000047  }
0xc: {  	s10 =	ssub.s32 s6, s7;
	s6 =	sadd.s32 $0x2E00, s1;
	s7 =	sadd.s32 $0x2F00, s1  }
0xd: {  	s0 =	sadd.s32 s0, s26;
	s26 =	simm.s32 $0x8E80;
	s5 =	sshrl.u32 s8, $0x3  }
0xe: {  	s11 =	sadd.s32 $0x600, s8;
	s8 =	sadd.s32 $0x620, s8;
	s25 =	smax.u32 s10, $0x1  }
0xf: {  	[dreg:$0xa] =	wrdreg s0;
	s10 =	simm.s32 $0x3E80;
	s0 =	simm.s32 $0x2  }
0x10: {  	s5 =	sadd.s32 s5, s1;
	s12 =	sshll.u32 s11, $0x7;
	s18 =	sshll.u32 s11, $0x4  }
0x11: {  	s20 =	sshll.u32 s8, $0x7;
	s22 =	sshll.u32 s8, $0x4;
	[dreg:$0x9] =	wrdreg s25  }
0x12: {  	s25 =	simm.s32 $0x1E80;
	s8 =	simm.s32 $0x5E80;
	s11 =	simm.s32 $0x0  }
0x13: {  	s5 =	sadd.s32 $0x1200, s5;
	s17 =	sadd.s32 s9, s12;
	[dreg:$0xb] =	wrdreg s11  }
0x14: {  	s12 =	simm.s32 $0x4E80;
	[dreg:$0x4] =	wrdreg s5;
	s5 =	sadd.s32 $0x2D00, s1  }
0x15: {  	[dreg:$0x5] =	wrdreg s17;
	s1 =	sadd.s32 s4, s18;
	s17 =	simm.s32 $0x1680  }
0x16: {  	s18 =	simm.s32 $0xE680;
	[dreg:$0x6] =	wrdreg s1;
	s1 =	sadd.s32 s9, s20  }
0x17: {  	s20 =	simm.s32 $0x8680;
	s9 =	simm.s32 $0x4;
	[dreg:$0x7] =	wrdreg s1  }
0x18: {  	v2 =	vlaneseq.u32;
	s1 =	sadd.s32 s4, s22;
	s22 =	simm.s32 $0x3680;
	s4 =	simm.s32 $0xC680  }
0x19: {  	vm0 =	vmmov $0xffff;
	v1 =	vshrl.u32 v2, $0x3;
	[dreg:$0x8] =	wrdreg s1;
	s1 =	sadd.s32 s23, s24;
	s23 =	simm.s32 $0x2680  }
0x1a: {  	v0 =	vand.u32 $0x7, v2;
	v2 =	vor.u32 $0x8, v2;
	v1 =	vmul.u32 $0x8, v1;
	s24 =	simm.s32 $0x1;
	[dreg:$0x3] =	wrdreg s1;
	s1 =	simm.s32 $0x6680  }
.LBB2_1:
0x1b: {  	s11 =	rddreg [dreg:$0x4]  }
0x1c: {  	[tilespmem:s2], [sflag:$0x5] =	stream.linear.gather [hbm4b:s11+s2], $0x640, $0x38;
	[tilespmem:$0x10680] =	vst v63  }
0x1d: {  	s11 =	simm.s32 $0x5  }
0x1e: {  	_ =	swait.ge [sflag:s11], $0x640  }
0x1f: {  	[sflag:s11] =	ssyncset.done $0x0  }
0x20: {  	[sflag:s11] =	ssyncadd.s32 $0xFFFFF9C0  }
0x21: {  	v3 =	vld [tilespmem:$0x0];
	_ =	sdelay $0x4  }
0x22: {  	v4 =	vshll.u32 v3, $0x3  }
0x23: {  	v3 =	vand.u32 $0x7, v3;
	v4 =	vand.u32 $0xFFFFFFC0, v4  }
0x24: {  	v3 =	vor.u32 v3, v4  }
0x25: {  	v4 =	vperm.xlane v3, v0;
	_ =	sdelay $0x1  }
0x26: {  	v4 =	vadd.s32 v1, v4;
	_ =	sdelay $0x4  }
0x27: {  	[tilespmem:s19], [sflag:$0x1] =	stream.indirect_vreg.gather [hbm4b:s3+s2], $0x80, v4, vm0, $0xb8;
	[tilespmem:$0x10680] =	vst v63  }
0x28: {  	v3 =	vperm.xlane v3, v2  }
0x29: {  	[tilespmem:s16], [sflag:$0x1] =	stream.indirect_vreg.gather [hbm4b:s5+s2], $0x80, v4, vm0, $0xb8;
	[tilespmem:$0x10680] =	vst v63  }
0x2a: {  	v3 =	vadd.s32 v1, v3  }
0x2b: {  	[tilespmem:s17], [sflag:$0x1] =	stream.indirect_vreg.gather [hbm4b:s6+s2], $0x80, v4, vm0, $0xb8;
	[tilespmem:$0x10680] =	vst v63  }
0x2c: {  	_ = 	snop  }
0x2d: {  	[tilespmem:s25], [sflag:$0x1] =	stream.indirect_vreg.gather [hbm4b:s7+s2], $0x80, v4, vm0, $0xb8;
	[tilespmem:$0x10680] =	vst v63  }
0x2e: {  	_ = 	snop  }
0x2f: {  	[tilespmem:s23], [sflag:$0x1] =	stream.indirect_vreg.gather [hbm4b:s3+s2], $0x80, v3, vm0, $0xb8;
	[tilespmem:$0x10680] =	vst v63  }
0x30: {  	_ = 	snop  }
0x31: {  	[tilespmem:s29], [sflag:$0x1] =	stream.indirect_vreg.gather [hbm4b:s5+s2], $0x80, v3, vm0, $0xb8;
	[tilespmem:$0x10680] =	vst v63  }
0x32: {  	_ = 	snop  }
0x33: {  	[tilespmem:s22], [sflag:$0x1] =	stream.indirect_vreg.gather [hbm4b:s6+s2], $0x80, v3, vm0, $0xb8;
	[tilespmem:$0x10680] =	vst v63  }
0x34: {  	_ = 	snop  }
0x35: {  	[tilespmem:s10], [sflag:$0x1] =	stream.indirect_vreg.gather [hbm4b:s7+s2], $0x80, v3, vm0, $0xb8;
	[tilespmem:$0x10680] =	vst v63  }
0x36: {  	v3 =	vld [tilespmem:$0x10];
	_ =	sdelay $0x4  }
0x37: {  	v61 =	vshll.u32 v3, $0x3  }
0x38: {  	v3 =	vand.u32 $0x7, v3;
	v4 =	vand.u32 $0xFFFFFFC0, v61  }
0x39: {  	v3 =	vor.u32 v3, v4  }
0x3a: {  	v4 =	vperm.xlane v3, v0;
	_ =	sdelay $0x1  }
0x3b: {  	v4 =	vadd.s32 v1, v4;
	_ =	sdelay $0x4  }
0x3c: {  	[tilespmem:s28], [sflag:$0x1] =	stream.indirect_vreg.gather [hbm4b:s3+s2], $0x80, v4, vm0, $0xb8;
	[tilespmem:$0x10680] =	vst v63  }
0x3d: {  	v3 =	vperm.xlane v3, v2  }
0x3e: {  	[tilespmem:s12], [sflag:$0x1] =	stream.indirect_vreg.gather [hbm4b:s5+s2], $0x80, v4, vm0, $0xb8;
	[tilespmem:$0x10680] =	vst v63  }
0x3f: {  	v3 =	vadd.s32 v1, v3  }
0x40: {  	[tilespmem:s14], [sflag:$0x1] =	stream.indirect_vreg.gather [hbm4b:s6+s2], $0x80, v4, vm0, $0xb8;
	[tilespmem:$0x10680] =	vst v63  }
0x41: {  	_ = 	snop  }
0x42: {  	[tilespmem:s8], [sflag:$0x1] =	stream.indirect_vreg.gather [hbm4b:s7+s2], $0x80, v4, vm0, $0xb8;
	[tilespmem:$0x10680] =	vst v63  }
0x43: {  	_ = 	snop  }
0x44: {  	[tilespmem:s1], [sflag:$0x1] =	stream.indirect_vreg.gather [hbm4b:s3+s2], $0x80, v3, vm0, $0xb8;
	[tilespmem:$0x10680] =	vst v63  }
0x45: {  	_ = 	snop  }
0x46: {  	[tilespmem:s15], [sflag:$0x1] =	stream.indirect_vreg.gather [hbm4b:s5+s2], $0x80, v3, vm0, $0xb8;
	[tilespmem:$0x10680] =	vst v63  }
0x47: {  	_ = 	snop  }
0x48: {  	[tilespmem:s13], [sflag:$0x1] =	stream.indirect_vreg.gather [hbm4b:s6+s2], $0x80, v3, vm0, $0xb8;
	[tilespmem:$0x10680] =	vst v63  }
0x49: {  	_ = 	snop  }
0x4a: {  	[tilespmem:s30], [sflag:$0x1] =	stream.indirect_vreg.gather [hbm4b:s7+s2], $0x80, v3, vm0, $0xb8;
	[tilespmem:$0x10680] =	vst v63  }
0x4b: {  	v3 =	vld [tilespmem:$0x20];
	_ =	sdelay $0x4  }
0x4c: {  	v62 =	vshll.u32 v3, $0x3  }
0x4d: {  	v3 =	vand.u32 $0x7, v3;
	v4 =	vand.u32 $0xFFFFFFC0, v62  }
0x4e: {  	v3 =	vor.u32 v3, v4  }
0x4f: {  	v4 =	vperm.xlane v3, v0;
	_ =	sdelay $0x1  }
0x50: {  	v4 =	vadd.s32 v1, v4;
	_ =	sdelay $0x4  }
0x51: {  	[tilespmem:s20], [sflag:$0x2] =	stream.indirect_vreg.gather [hbm4b:s3+s2], $0x80, v4, vm0, $0xb8;
	[tilespmem:$0x10680] =	vst v63  }
0x52: {  	v3 =	vperm.xlane v3, v2  }
0x53: {  	[tilespmem:s26], [sflag:$0x2] =	stream.indirect_vreg.gather [hbm4b:s5+s2], $0x80, v4, vm0, $0xb8;
	[tilespmem:$0x10680] =	vst v63  }
0x54: {  	s16 =	simm.s32 $0x9680;
	v3 =	vadd.s32 v1, v3  }
0x55: {  	[tilespmem:s16], [sflag:$0x2] =	stream.indirect_vreg.gather [hbm4b:s6+s2], $0x80, v4, vm0, $0xb8;
	[tilespmem:$0x10680] =	vst v63  }
0x56: {  	s17 =	simm.s32 $0x9E80  }
0x57: {  	[tilespmem:s17], [sflag:$0x2] =	stream.indirect_vreg.gather [hbm4b:s7+s2], $0x80, v4, vm0, $0xb8;
	[tilespmem:$0x10680] =	vst v63  }
0x58: {  	_ = 	snop  }
0x59: {  	[tilespmem:s21], [sflag:$0x2] =	stream.indirect_vreg.gather [hbm4b:s3+s2], $0x80, v3, vm0, $0xb8;
	[tilespmem:$0x10680] =	vst v63  }
0x5a: {  	s19 =	simm.s32 $0xAE80  }
0x5b: {  	[tilespmem:s19], [sflag:$0x2] =	stream.indirect_vreg.gather [hbm4b:s5+s2], $0x80, v3, vm0, $0xb8;
	[tilespmem:$0x10680] =	vst v63  }
0x5c: {  	s20 =	simm.s32 $0xB680  }
0x5d: {  	[tilespmem:s20], [sflag:$0x2] =	stream.indirect_vreg.gather [hbm4b:s6+s2], $0x80, v3, vm0, $0xb8;
	[tilespmem:$0x10680] =	vst v63  }
0x5e: {  	s21 =	simm.s32 $0xBE80  }
0x5f: {  	[tilespmem:s21], [sflag:$0x2] =	stream.indirect_vreg.gather [hbm4b:s7+s2], $0x80, v3, vm0, $0xb8;
	[tilespmem:$0x10680] =	vst v63  }
0x60: {  	v3 =	vld [tilespmem:$0x30];
	_ =	sdelay $0x4  }
0x61: {  	v63 =	vshll.u32 v3, $0x3  }
0x62: {  	v3 =	vand.u32 $0x7, v3;
	v4 =	vand.u32 $0xFFFFFFC0, v63  }
0x63: {  	v3 =	vor.u32 v3, v4  }
0x64: {  	v4 =	vperm.xlane v3, v0;
	_ =	sdelay $0x1  }
0x65: {  	v4 =	vadd.s32 v1, v4;
	_ =	sdelay $0x4  }
0x66: {  	[tilespmem:s4], [sflag:$0x2] =	stream.indirect_vreg.gather [hbm4b:s3+s2], $0x80, v4, vm0, $0xb8;
	[tilespmem:$0x10680] =	vst v63  }
0x67: {  	s22 =	simm.s32 $0xCE80;
	v3 =	vperm.xlane v3, v2  }
0x68: {  	[tilespmem:s22], [sflag:$0x2] =	stream.indirect_vreg.gather [hbm4b:s5+s2], $0x80, v4, vm0, $0xb8;
	[tilespmem:$0x10680] =	vst v63  }
0x69: {  	s23 =	simm.s32 $0xD680;
	v3 =	vadd.s32 v1, v3  }
0x6a: {  	[tilespmem:s23], [sflag:$0x2] =	stream.indirect_vreg.gather [hbm4b:s6+s2], $0x80, v4, vm0, $0xb8;
	[tilespmem:$0x10680] =	vst v63  }
0x6b: {  	s25 =	simm.s32 $0xDE80  }
0x6c: {  	[tilespmem:s25], [sflag:$0x2] =	stream.indirect_vreg.gather [hbm4b:s7+s2], $0x80, v4, vm0, $0xb8;
	[tilespmem:$0x10680] =	vst v63  }
0x6d: {  	s11 =	simm.s32 $0x70;
	s29 =	simm.s32 $0x2E80;
	s10 =	simm.s32 $0x9680  }
0x6e: {  	[tilespmem:s18], [sflag:$0x2] =	stream.indirect_vreg.gather [hbm4b:s3+s2], $0x80, v3, vm0, $0xb8;
	[tilespmem:$0x10680] =	vst v63  }
0x6f: {  	s28 =	simm.s32 $0xF680;
	s14 =	simm.s32 $0xFE80;
	s26 =	simm.s32 $0xEE80  }
0x70: {  	[tilespmem:s26], [sflag:$0x2] =	stream.indirect_vreg.gather [hbm4b:s5+s2], $0x80, v3, vm0, $0xb8;
	[tilespmem:$0x10680] =	vst v63  }
0x71: {  	s8 =	simm.s32 $0x5E80;
	s15 =	simm.s32 $0x6E80;
	s16 =	rddreg [dreg:$0xa]  }
0x72: {  	[tilespmem:s28], [sflag:$0x2] =	stream.indirect_vreg.gather [hbm4b:s6+s2], $0x80, v3, vm0, $0xb8;
	[tilespmem:$0x10680] =	vst v63  }
0x73: {  	s17 =	simm.s32 $0x0;
	s22 =	simm.s32 $0x8E80;
	s26 =	simm.s32 $0x1E80  }
0x74: {  	[tilespmem:s14], [sflag:$0x2] =	stream.indirect_vreg.gather [hbm4b:s7+s2], $0x80, v3, vm0, $0xb8;
	[tilespmem:$0x10680] =	vst v63  }
.LBB2_2:
0x75: {  	_ =	swait.ge [sflag:s24], $0x8000  }
0x76: {  	[sflag:s24] =	ssyncset.done $0x0  }
0x77: {  	s23 =	simm.s32 $0x680;
	[sflag:s24] =	ssyncadd.s32 $0xFFFF8000  }
0x78: {  	[hbm4b:s16+s2] =	stream.linear.scatter [tilespmem:s23], [sflag:$0x3], $0x1C00, $0x38;
	[tilespmem:$0x10680] =	vst v63  }
0x79: {  	s20 =	sadd.s32 $0x400, s16;
	s28 =	simm.s32 $0x2680  }
0x7a: {  	[hbm4b:s20+s2] =	stream.linear.scatter [tilespmem:s28], [sflag:$0x3], $0x1C00, $0x38;
	[tilespmem:$0x10680] =	vst v63  }
0x7b: {  	s21 =	sadd.s32 $0x800, s16;
	s1 =	simm.s32 $0x4680  }
0x7c: {  	[hbm4b:s21+s2] =	stream.linear.scatter [tilespmem:s1], [sflag:$0x3], $0x1C00, $0x38;
	[tilespmem:$0x10680] =	vst v63  }
0x7d: {  	s13 =	simm.s32 $0x6680;
	s25 =	rddreg [dreg:$0x3];
	s21 =	sadd.s32 $0xC00, s16  }
0x7e: {  	[hbm4b:s21+s2] =	stream.linear.scatter [tilespmem:s13], [sflag:$0x3], $0x1C00, $0x38;
	[tilespmem:$0x10680] =	vst v63  }
0x7f: {  	s4 =	simm.s32 $0x2280;
	s20 =	sadd.s32 s17, s25  }
0x80: {  	[hbm4b:s20+s2] =	stream.linear.scatter [tilespmem:s4], [sflag:$0x3], $0x400, $0x38;
	[tilespmem:$0x10680] =	vst v63  }
0x81: {  	s12 =	simm.s32 $0x4280;
	s4 =	sadd.s32 $0x80, s20  }
0x82: {  	[hbm4b:s4+s2] =	stream.linear.scatter [tilespmem:s12], [sflag:$0x3], $0x400, $0x38;
	[tilespmem:$0x10680] =	vst v63  }
0x83: {  	s25 =	simm.s32 $0x6280;
	s19 =	sadd.s32 $0x100, s20  }
0x84: {  	[hbm4b:s19+s2] =	stream.linear.scatter [tilespmem:s25], [sflag:$0x3], $0x400, $0x38;
	[tilespmem:$0x10680] =	vst v63  }
0x85: {  	s12 =	sadd.s32 $0x180, s20;
	s19 =	simm.s32 $0x8280  }
0x86: {  	[hbm4b:s12+s2] =	stream.linear.scatter [tilespmem:s19], [sflag:$0x3], $0x400, $0x38;
	[tilespmem:$0x10680] =	vst v63  }
0x87: {  	_ =	swait.ge [sflag:s31], $0x7000  }
0x88: {  	[sflag:s31] =	ssyncset.done $0x0  }
0x89: {  	[sflag:s31] =	ssyncadd.s32 $0xFFFF9000  }
0x8a: {  	_ =	swait.ge [sflag:s31], $0x1000  }
0x8b: {  	[sflag:s31] =	ssyncset.done $0x0  }
0x8c: {  	[sflag:s31] =	ssyncadd.s32 $0xFFFFF000  }
0x8d: {  	v3 =	vld [tilespmem:s11+$0xFFFFFFD0];
	_ =	sdelay $0x4  }
0x8e: {  	v4 =	vshll.u32 v3, $0x3  }
0x8f: {  	v3 =	vand.u32 $0x7, v3;
	v4 =	vand.u32 $0xFFFFFFC0, v4  }
0x90: {  	v3 =	vor.u32 v3, v4  }
0x91: {  	v4 =	vperm.xlane v3, v0;
	_ =	sdelay $0x1  }
0x92: {  	v4 =	vadd.s32 v1, v4;
	_ =	sdelay $0x4  }
0x93: {  	[tilespmem:s23], [sflag:$0x1] =	stream.indirect_vreg.gather [hbm4b:s3+s2], $0x80, v4, vm0, $0xb8;
	[tilespmem:$0x10680] =	vst v63  }
0x94: {  	v3 =	vperm.xlane v3, v2;
	s23 =	simm.s32 $0xE80  }
0x95: {  	[tilespmem:s23], [sflag:$0x1] =	stream.indirect_vreg.gather [hbm4b:s5+s2], $0x80, v4, vm0, $0xb8;
	[tilespmem:$0x10680] =	vst v63  }
0x96: {  	s25 =	simm.s32 $0x1680;
	v3 =	vadd.s32 v1, v3  }
0x97: {  	[tilespmem:s25], [sflag:$0x1] =	stream.indirect_vreg.gather [hbm4b:s6+s2], $0x80, v4, vm0, $0xb8;
	[tilespmem:$0x10680] =	vst v63  }
0x98: {  	_ = 	snop  }
0x99: {  	[tilespmem:s26], [sflag:$0x1] =	stream.indirect_vreg.gather [hbm4b:s7+s2], $0x80, v4, vm0, $0xb8;
	[tilespmem:$0x10680] =	vst v63  }
0x9a: {  	_ = 	snop  }
0x9b: {  	[tilespmem:s28], [sflag:$0x1] =	stream.indirect_vreg.gather [hbm4b:s3+s2], $0x80, v3, vm0, $0xb8;
	[tilespmem:$0x10680] =	vst v63  }
0x9c: {  	_ = 	snop  }
0x9d: {  	[tilespmem:s29], [sflag:$0x1] =	stream.indirect_vreg.gather [hbm4b:s5+s2], $0x80, v3, vm0, $0xb8;
	[tilespmem:$0x10680] =	vst v63  }
0x9e: {  	s12 =	simm.s32 $0x3680  }
0x9f: {  	[tilespmem:s12], [sflag:$0x1] =	stream.indirect_vreg.gather [hbm4b:s6+s2], $0x80, v3, vm0, $0xb8;
	[tilespmem:$0x10680] =	vst v63  }
0xa0: {  	s21 =	simm.s32 $0x3E80  }
0xa1: {  	[tilespmem:s21], [sflag:$0x1] =	stream.indirect_vreg.gather [hbm4b:s7+s2], $0x80, v3, vm0, $0xb8;
	[tilespmem:$0x10680] =	vst v63  }
0xa2: {  	v3 =	vld [tilespmem:s11+$0xFFFFFFE0];
	_ =	sdelay $0x4  }
0xa3: {  	v61 =	vshll.u32 v3, $0x3  }
0xa4: {  	v3 =	vand.u32 $0x7, v3;
	v4 =	vand.u32 $0xFFFFFFC0, v61  }
0xa5: {  	v3 =	vor.u32 v3, v4  }
0xa6: {  	v4 =	vperm.xlane v3, v0;
	_ =	sdelay $0x1  }
0xa7: {  	v4 =	vadd.s32 v1, v4;
	_ =	sdelay $0x4  }
0xa8: {  	[tilespmem:s1], [sflag:$0x1] =	stream.indirect_vreg.gather [hbm4b:s3+s2], $0x80, v4, vm0, $0xb8;
	[tilespmem:$0x10680] =	vst v63  }
0xa9: {  	s25 =	simm.s32 $0x4E80;
	v3 =	vperm.xlane v3, v2  }
0xaa: {  	[tilespmem:s25], [sflag:$0x1] =	stream.indirect_vreg.gather [hbm4b:s5+s2], $0x80, v4, vm0, $0xb8;
	[tilespmem:$0x10680] =	vst v63  }
0xab: {  	s4 =	simm.s32 $0x5680;
	v3 =	vadd.s32 v1, v3  }
0xac: {  	[tilespmem:s4], [sflag:$0x1] =	stream.indirect_vreg.gather [hbm4b:s6+s2], $0x80, v4, vm0, $0xb8;
	[tilespmem:$0x10680] =	vst v63  }
0xad: {  	_ = 	snop  }
0xae: {  	[tilespmem:s8], [sflag:$0x1] =	stream.indirect_vreg.gather [hbm4b:s7+s2], $0x80, v4, vm0, $0xb8;
	[tilespmem:$0x10680] =	vst v63  }
0xaf: {  	_ = 	snop  }
0xb0: {  	[tilespmem:s13], [sflag:$0x1] =	stream.indirect_vreg.gather [hbm4b:s3+s2], $0x80, v3, vm0, $0xb8;
	[tilespmem:$0x10680] =	vst v63  }
0xb1: {  	_ = 	snop  }
0xb2: {  	[tilespmem:s15], [sflag:$0x1] =	stream.indirect_vreg.gather [hbm4b:s5+s2], $0x80, v3, vm0, $0xb8;
	[tilespmem:$0x10680] =	vst v63  }
0xb3: {  	s13 =	simm.s32 $0x7680  }
0xb4: {  	[tilespmem:s13], [sflag:$0x1] =	stream.indirect_vreg.gather [hbm4b:s6+s2], $0x80, v3, vm0, $0xb8;
	[tilespmem:$0x10680] =	vst v63  }
0xb5: {  	_ = 	snop  }
0xb6: {  	[tilespmem:s30], [sflag:$0x1] =	stream.indirect_vreg.gather [hbm4b:s7+s2], $0x80, v3, vm0, $0xb8;
	[tilespmem:$0x10680] =	vst v63  }
0xb7: {  	_ =	swait.ge [sflag:s0], $0x8000  }
0xb8: {  	[sflag:s0] =	ssyncset.done $0x0  }
0xb9: {  	s12 =	sadd.s32 $0x1000, s16;
	s30 =	simm.s32 $0x8680;
	[sflag:s0] =	ssyncadd.s32 $0xFFFF8000  }
0xba: {  	[hbm4b:s12+s2] =	stream.linear.scatter [tilespmem:s30], [sflag:$0x4], $0x1C00, $0x38;
	[tilespmem:$0x10680] =	vst v63  }
0xbb: {  	s25 =	sadd.s32 $0x1400, s16;
	s4 =	simm.s32 $0xA680  }
0xbc: {  	[hbm4b:s25+s2] =	stream.linear.scatter [tilespmem:s4], [sflag:$0x4], $0x1C00, $0x38;
	[tilespmem:$0x10680] =	vst v63  }
0xbd: {  	s12 =	sadd.s32 $0x1800, s16;
	s25 =	simm.s32 $0xC680  }
0xbe: {  	[hbm4b:s12+s2] =	stream.linear.scatter [tilespmem:s25], [sflag:$0x4], $0x1C00, $0x38;
	[tilespmem:$0x10680] =	vst v63  }
0xbf: {  	s12 =	sadd.s32 $0x1C00, s16  }
0xc0: {  	[hbm4b:s12+s2] =	stream.linear.scatter [tilespmem:s18], [sflag:$0x4], $0x1C00, $0x38;
	[tilespmem:$0x10680] =	vst v63  }
0xc1: {  	s21 =	sadd.s32 $0x200, s20;
	s12 =	simm.s32 $0xA280  }
0xc2: {  	[hbm4b:s21+s2] =	stream.linear.scatter [tilespmem:s12], [sflag:$0x4], $0x400, $0x38;
	[tilespmem:$0x10680] =	vst v63  }
0xc3: {  	s21 =	sadd.s32 $0x280, s20;
	s12 =	simm.s32 $0xC280  }
0xc4: {  	[hbm4b:s21+s2] =	stream.linear.scatter [tilespmem:s12], [sflag:$0x4], $0x400, $0x38;
	[tilespmem:$0x10680] =	vst v63  }
0xc5: {  	s21 =	sadd.s32 $0x300, s20;
	s12 =	simm.s32 $0xE280  }
0xc6: {  	[hbm4b:s21+s2] =	stream.linear.scatter [tilespmem:s12], [sflag:$0x4], $0x400, $0x38;
	[tilespmem:$0x10680] =	vst v63  }
0xc7: {  	s20 =	sadd.s32 $0x380, s20;
	s12 =	simm.s32 $0x10280  }
0xc8: {  	[hbm4b:s20+s2] =	stream.linear.scatter [tilespmem:s12], [sflag:$0x4], $0x400, $0x38;
	[tilespmem:$0x10680] =	vst v63  }
0xc9: {  	_ =	swait.ge [sflag:s9], $0x7000  }
0xca: {  	[sflag:s9] =	ssyncset.done $0x0  }
0xcb: {  	[sflag:s9] =	ssyncadd.s32 $0xFFFF9000  }
0xcc: {  	_ =	swait.ge [sflag:s9], $0x1000  }
0xcd: {  	[sflag:s9] =	ssyncset.done $0x0  }
0xce: {  	[sflag:s9] =	ssyncadd.s32 $0xFFFFF000  }
0xcf: {  	v3 =	vld [tilespmem:s11+$0xFFFFFFF0];
	_ =	sdelay $0x4  }
0xd0: {  	v62 =	vshll.u32 v3, $0x3  }
0xd1: {  	v3 =	vand.u32 $0x7, v3;
	v4 =	vand.u32 $0xFFFFFFC0, v62  }
0xd2: {  	v3 =	vor.u32 v3, v4  }
0xd3: {  	v4 =	vperm.xlane v3, v0;
	_ =	sdelay $0x1  }
0xd4: {  	v4 =	vadd.s32 v1, v4;
	_ =	sdelay $0x4  }
0xd5: {  	[tilespmem:s30], [sflag:$0x2] =	stream.indirect_vreg.gather [hbm4b:s3+s2], $0x80, v4, vm0, $0xb8;
	[tilespmem:$0x10680] =	vst v63  }
0xd6: {  	v3 =	vperm.xlane v3, v2  }
0xd7: {  	[tilespmem:s22], [sflag:$0x2] =	stream.indirect_vreg.gather [hbm4b:s5+s2], $0x80, v4, vm0, $0xb8;
	[tilespmem:$0x10680] =	vst v63  }
0xd8: {  	v3 =	vadd.s32 v1, v3  }
0xd9: {  	[tilespmem:s10], [sflag:$0x2] =	stream.indirect_vreg.gather [hbm4b:s6+s2], $0x80, v4, vm0, $0xb8;
	[tilespmem:$0x10680] =	vst v63  }
0xda: {  	s21 =	simm.s32 $0x9E80  }
0xdb: {  	[tilespmem:s21], [sflag:$0x2] =	stream.indirect_vreg.gather [hbm4b:s7+s2], $0x80, v4, vm0, $0xb8;
	[tilespmem:$0x10680] =	vst v63  }
0xdc: {  	_ = 	snop  }
0xdd: {  	[tilespmem:s4], [sflag:$0x2] =	stream.indirect_vreg.gather [hbm4b:s3+s2], $0x80, v3, vm0, $0xb8;
	[tilespmem:$0x10680] =	vst v63  }
0xde: {  	s12 =	simm.s32 $0xAE80  }
0xdf: {  	[tilespmem:s12], [sflag:$0x2] =	stream.indirect_vreg.gather [hbm4b:s5+s2], $0x80, v3, vm0, $0xb8;
	[tilespmem:$0x10680] =	vst v63  }
0xe0: {  	s12 =	simm.s32 $0xB680  }
0xe1: {  	[tilespmem:s12], [sflag:$0x2] =	stream.indirect_vreg.gather [hbm4b:s6+s2], $0x80, v3, vm0, $0xb8;
	[tilespmem:$0x10680] =	vst v63  }
0xe2: {  	s12 =	simm.s32 $0xBE80  }
0xe3: {  	[tilespmem:s12], [sflag:$0x2] =	stream.indirect_vreg.gather [hbm4b:s7+s2], $0x80, v3, vm0, $0xb8;
	[tilespmem:$0x10680] =	vst v63  }
0xe4: {  	v3 =	vld [tilespmem:s11+$0x0];
	_ =	sdelay $0x4  }
0xe5: {  	v63 =	vshll.u32 v3, $0x3  }
0xe6: {  	v3 =	vand.u32 $0x7, v3;
	v4 =	vand.u32 $0xFFFFFFC0, v63  }
0xe7: {  	v3 =	vor.u32 v3, v4  }
0xe8: {  	v4 =	vperm.xlane v3, v0;
	_ =	sdelay $0x1  }
0xe9: {  	v4 =	vadd.s32 v1, v4;
	_ =	sdelay $0x4  }
0xea: {  	[tilespmem:s25], [sflag:$0x2] =	stream.indirect_vreg.gather [hbm4b:s3+s2], $0x80, v4, vm0, $0xb8;
	[tilespmem:$0x10680] =	vst v63  }
0xeb: {  	v3 =	vperm.xlane v3, v2;
	s25 =	simm.s32 $0xCE80  }
0xec: {  	[tilespmem:s25], [sflag:$0x2] =	stream.indirect_vreg.gather [hbm4b:s5+s2], $0x80, v4, vm0, $0xb8;
	[tilespmem:$0x10680] =	vst v63  }
0xed: {  	v3 =	vadd.s32 v1, v3;
	s25 =	simm.s32 $0xD680  }
0xee: {  	[tilespmem:s25], [sflag:$0x2] =	stream.indirect_vreg.gather [hbm4b:s6+s2], $0x80, v4, vm0, $0xb8;
	[tilespmem:$0x10680] =	vst v63  }
0xef: {  	s25 =	simm.s32 $0xDE80  }
0xf0: {  	[tilespmem:s25], [sflag:$0x2] =	stream.indirect_vreg.gather [hbm4b:s7+s2], $0x80, v4, vm0, $0xb8;
	[tilespmem:$0x10680] =	vst v63  }
0xf1: {  	p0 =	sne.s32 s17, $0x5C00;
	s17 =	sadd.s32 $0x400, s17;
	s19 =	simm.s32 $0x680  }
0xf2: {  	[tilespmem:s18], [sflag:$0x2] =	stream.indirect_vreg.gather [hbm4b:s3+s2], $0x80, v3, vm0, $0xb8;
	[tilespmem:$0x10680] =	vst v63  }
0xf3: {  	s23 =	simm.s32 $0x2680;
	s28 =	simm.s32 $0x4680;
	s25 =	simm.s32 $0xEE80  }
0xf4: {  	[tilespmem:s25], [sflag:$0x2] =	stream.indirect_vreg.gather [hbm4b:s5+s2], $0x80, v3, vm0, $0xb8;
	[tilespmem:$0x10680] =	vst v63  }
.Ltmp0:
0xf5: {  	s1 =	simm.s32 $0x6680;
	s16 =	sadd.s32 $0x2000, s16;
	(pc) =	sbr.rel @p0 .LBB2_2-.Ltmp0, $4  }
0xf6: {  	s20 =	simm.s32 $0x8680;
	s30 =	simm.s32 $0x7E80;
	s25 =	simm.s32 $0xF680  }
0xf7: {  	[tilespmem:s25], [sflag:$0x2] =	stream.indirect_vreg.gather [hbm4b:s6+s2], $0x80, v3, vm0, $0xb8;
	[tilespmem:$0x10680] =	vst v63  }
0xf8: {  	s21 =	simm.s32 $0xA680;
	s4 =	simm.s32 $0xC680;
	s11 =	sadd.s32 $0x40, s11  }
0xf9: {  	[tilespmem:s14], [sflag:$0x2] =	stream.indirect_vreg.gather [hbm4b:s7+s2], $0x80, v3, vm0, $0xb8;
	[tilespmem:$0x10680] =	vst v63  }
0xfa: {  	_ =	swait.ge [sflag:s24], $0x8000  }
0xfb: {  	[sflag:s24] =	ssyncset.done $0x0  }
0xfc: {  	s16 =	rddreg [dreg:$0x5];
	[sflag:s24] =	ssyncadd.s32 $0xFFFF8000  }
0xfd: {  	[hbm4b:s16+s2] =	stream.linear.scatter [tilespmem:s19], [sflag:$0x3], $0x1C00, $0x38;
	[tilespmem:$0x10680] =	vst v63  }
0xfe: {  	s11 =	sadd.s32 $0x400, s16  }
0xff: {  	[hbm4b:s11+s2] =	stream.linear.scatter [tilespmem:s23], [sflag:$0x3], $0x1C00, $0x38;
	[tilespmem:$0x10680] =	vst v63  }
0x100: {  	s12 =	sadd.s32 $0x800, s16  }
0x101: {  	[hbm4b:s12+s2] =	stream.linear.scatter [tilespmem:s28], [sflag:$0x3], $0x1C00, $0x38;
	[tilespmem:$0x10680] =	vst v63  }
0x102: {  	s14 =	sadd.s32 $0xC00, s16  }
0x103: {  	[hbm4b:s14+s2] =	stream.linear.scatter [tilespmem:s1], [sflag:$0x3], $0x1C00, $0x38;
	[tilespmem:$0x10680] =	vst v63  }
0x104: {  	s8 =	simm.s32 $0x2280;
	s15 =	rddreg [dreg:$0x6]  }
0x105: {  	[hbm4b:s15+s2] =	stream.linear.scatter [tilespmem:s8], [sflag:$0x3], $0x400, $0x38;
	[tilespmem:$0x10680] =	vst v63  }
0x106: {  	s22 =	simm.s32 $0x4280;
	s17 =	sadd.s32 $0x80, s15  }
0x107: {  	[hbm4b:s17+s2] =	stream.linear.scatter [tilespmem:s22], [sflag:$0x3], $0x400, $0x38;
	[tilespmem:$0x10680] =	vst v63  }
0x108: {  	s26 =	simm.s32 $0x6280;
	s25 =	sadd.s32 $0x100, s15  }
0x109: {  	[hbm4b:s25+s2] =	stream.linear.scatter [tilespmem:s26], [sflag:$0x3], $0x400, $0x38;
	[tilespmem:$0x10680] =	vst v63  }
0x10a: {  	s10 =	sadd.s32 $0x180, s15;
	s12 =	simm.s32 $0x8280  }
0x10b: {  	[hbm4b:s10+s2] =	stream.linear.scatter [tilespmem:s12], [sflag:$0x3], $0x400, $0x38;
	[tilespmem:$0x10680] =	vst v63  }
0x10c: {  	_ =	swait.ge [sflag:s31], $0x7000  }
0x10d: {  	[sflag:s31] =	ssyncset.done $0x0  }
0x10e: {  	[sflag:s31] =	ssyncadd.s32 $0xFFFF9000  }
0x10f: {  	_ =	swait.ge [sflag:s31], $0x1000  }
0x110: {  	[sflag:s31] =	ssyncset.done $0x0  }
0x111: {  	[sflag:s31] =	ssyncadd.s32 $0xFFFFF000  }
0x112: {  	_ =	swait.ge [sflag:s0], $0x8000  }
0x113: {  	[sflag:s0] =	ssyncset.done $0x0  }
0x114: {  	s14 =	rddreg [dreg:$0x7];
	[sflag:s0] =	ssyncadd.s32 $0xFFFF8000  }
0x115: {  	[hbm4b:s14+s2] =	stream.linear.scatter [tilespmem:s20], [sflag:$0x4], $0x1C00, $0x38;
	[tilespmem:$0x10680] =	vst v63  }
0x116: {  	s15 =	sadd.s32 $0x400, s14  }
0x117: {  	[hbm4b:s15+s2] =	stream.linear.scatter [tilespmem:s21], [sflag:$0x4], $0x1C00, $0x38;
	[tilespmem:$0x10680] =	vst v63  }
0x118: {  	s17 =	sadd.s32 $0x800, s14  }
0x119: {  	[hbm4b:s17+s2] =	stream.linear.scatter [tilespmem:s4], [sflag:$0x4], $0x1C00, $0x38;
	[tilespmem:$0x10680] =	vst v63  }
0x11a: {  	s22 =	sadd.s32 $0xC00, s14  }
0x11b: {  	[hbm4b:s22+s2] =	stream.linear.scatter [tilespmem:s18], [sflag:$0x4], $0x1C00, $0x38;
	[tilespmem:$0x10680] =	vst v63  }
0x11c: {  	s26 =	simm.s32 $0xA280;
	s25 =	rddreg [dreg:$0x8]  }
0x11d: {  	[hbm4b:s25+s2] =	stream.linear.scatter [tilespmem:s26], [sflag:$0x4], $0x400, $0x38;
	[tilespmem:$0x10680] =	vst v63  }
0x11e: {  	s12 =	simm.s32 $0xC280;
	s10 =	sadd.s32 $0x80, s25  }
0x11f: {  	[hbm4b:s10+s2] =	stream.linear.scatter [tilespmem:s12], [sflag:$0x4], $0x400, $0x38;
	[tilespmem:$0x10680] =	vst v63  }
0x120: {  	s14 =	sadd.s32 $0x100, s25;
	s15 =	simm.s32 $0xE280  }
0x121: {  	[hbm4b:s14+s2] =	stream.linear.scatter [tilespmem:s15], [sflag:$0x4], $0x400, $0x38;
	[tilespmem:$0x10680] =	vst v63  }
0x122: {  	s17 =	sadd.s32 $0x180, s25;
	s22 =	simm.s32 $0x10280  }
0x123: {  	[hbm4b:s17+s2] =	stream.linear.scatter [tilespmem:s22], [sflag:$0x4], $0x400, $0x38;
	[tilespmem:$0x10680] =	vst v63  }
0x124: {  	_ =	swait.ge [sflag:s9], $0x7000  }
0x125: {  	[sflag:s9] =	ssyncset.done $0x0  }
0x126: {  	[sflag:s9] =	ssyncadd.s32 $0xFFFF9000  }
0x127: {  	_ =	swait.ge [sflag:s9], $0x1000  }
0x128: {  	s25 =	rddreg [dreg:$0xb]  }
0x129: {  	s26 =	rddreg [dreg:$0x9];
	s8 =	sadd.s32 $0x1, s25  }
0x12a: {  	p0 =	sne.s32 s8, s26  }
.Ltmp1:
0x12b: {  	s29 =	simm.s32 $0x2E80;
	s16 =	simm.s32 $0xE80;
	(pc) =	sbr.rel @p0 .LBB2_1-.Ltmp1, $4  }
0x12c: {  	s10 =	simm.s32 $0x3E80;
	s12 =	simm.s32 $0x4E80;
	s14 =	simm.s32 $0x5680  }
0x12d: {  	s15 =	simm.s32 $0x6E80;
	s17 =	simm.s32 $0x1680;
	[sflag:s9] =	ssyncset.done $0x0  }
0x12e: {  	s22 =	simm.s32 $0x3680;
	[sflag:s9] =	ssyncadd.s32 $0xFFFFF000;
	s25 =	simm.s32 $0x1E80  }
0x12f: {  	[dreg:$0xb] =	wrdreg s8;
	s8 =	simm.s32 $0x5E80;
	s26 =	simm.s32 $0x8E80  }
0x130: {  	_ =	sfence.sel $0x180000  }
0x131: {  	[bflag:$0x0] =	sbarrier.arrive $0xFFFF  }
0x132: {  	_ =	strace $0x90000047  }
0x133: {  	s0 =	stileid.u32;
	[bflag:$0x2] =	sbarrier.arrive $0xFFFF  }
0x134: {  	p0 =	sne.s32 s0, $0x0;
	s0 =	rddreg [dreg:$0x2]  }
0x135: {  	s0 =	sadd.s32 @!p0 $0x100000, s0  }
0x136: {  	[sflag:s0] =	ssyncadd.tile.s32 @!p0 $0x1;
	_ =	shalt  }
.Lfunc_end2:
_tile_overlayer_lowered:
.L_overlay_start_2:
0x137: {  	(tag) =	ssettag $0x2  }
0x138: {  	s0 =	rddreg [dreg:$0x0];
	s2 =	stileid.u32  }
0x139: {  	s1 =	rddreg [dreg:$0x1];
	p0 =	sne.s32 s2, $0x0  }
0x13a: {  	s3 =	rddreg [dreg:$0x2];
	[bflag:$0x3] =	sbarrier.arrive $0xFFFF;
	s2 =	simm.s32 @!p0 $0x1C05  }
0x13b: {  	[timem:s3], [sflag:s2] =	dma.local @!p0 [hbm:s0], s1  }
0x13c: {  	s0 =	simm.s32 @!p0 $0x5  }
0x13d: {  	_ =	swait.ge @!p0 [sflag:s0], s1  }
0x13e: {  	s1 =	ssub.s32 @!p0 $0x0, s1;
	[sflag:s0] =	ssyncset.done @!p0 $0x0  }
0x13f: {  	[sflag:s0] =	ssyncadd.s32 @!p0 s1  }
0x140: {  	[bflag:$0x3] =	sbarrier.arrive $0xFFFF  }
0x141: {  	_ =	shalt  }

// kernel: sparse-core-data-format-call.cloned.1.call-start
scs
called_computation_lowered:
.L_overlay_start_0:
0x0: {  	s2 =	sld [smem:$0x3FD9]  }
0x1: {  	s3 =	sld [smem:$0x3FFE];
	_ =	sdelay $0x1  }
0x2: {  	s1 =	srdreg.scid  }
0x3: {  	s0 =	sand.u32 $0x1, s1  }
0x4: {  	s16 =	sshll.u32 s0, $0xA;
	s2 =	sadd.s32 s3, s2  }
0x5: {  	s2 =	sadd.s32 s2, s16  }
0x6: {  	[smem:$0x3FC5] =	sst s2  }
0x7: {  	_ = 	snop  }
0x8: {  	s2 =	sld [smem:$0x3FD0];
	_ =	sdelay $0x2  }
0x9: {  	s17 =	simm.s32 $0xB;
	s4 =	simm.s32 $0x10  }
0xa: {  	[smem:s4], [sflag:s17] =	dma.local [hbm:s2], $0x1  }
0xb: {  	_ =	swait.eq [sflag:s17], $0x1  }
0xc: {  	[sflag:s17] =	ssyncset.done $0x0  }
0xd: {  	[sflag:s17] =	ssyncadd.s32 $0xFFFFFFFF  }
0xe: {  	s18 =	sld [smem:$0x10];
	(tm) =	ssettm $0x1  }
0xf: {  	s19 =	sld [smem:$0x3FFB];
	_ =	sdelay $0x3  }
0x10: {  	_ =	strace s19  }
0x11: {  	s2 =	sld [smem:$0x3FFC];
	_ =	sdelay $0x3  }
0x12: {  	_ =	strace s2  }
0x13: {  	s2 =	sld [smem:$0x3FFD];
	_ =	sdelay $0x3  }
0x14: {  	_ =	strace s2  }
0x15: {  	_ =	strace $0x8FFFFFFF  }
0x16: {  	s20 =	sld [smem:$0x3FDB];
	_ =	sdelay $0x1  }
0x17: {  	s21 =	simm.s32 $_scs_section_size  }
0x18: {  	s5 =	simm.s32 $_size__tile_overlayer_lowered;
	s6 =	simm.s32 $_tile_overlayer_lowered  }
0x19: {  	s7 =	simm.s32 $0x1BFF;
	s22 =	sshll.u32 s6, $0x1;
	s4 =	sadd.s32 s21, s20  }
0x1a: {  	s23 =	simm.s32 $0x0;
	s5 =	sshll.u32 s5, $0x1;
	s6 =	sadd.s32 s22, s4  }
0x1b: {  	[timem:s23], [sflag:s7] =	dma.local [hbm:s6], s5  }
0x1c: {  	_ =	swait.ge [sflag:s7], s5  }
0x1d: {  	s5 =	ssub.s32 $0x0, s5;
	[sflag:s7] =	ssyncset.done $0x0  }
0x1e: {  	[sflag:s7] =	ssyncadd.s32 s5;
	_ =	sdelay $0x1  }
0x1f: {  	s24 =	simm.s32 $0x1B8B  }
0x20: {  	_ =	swait.ge [sflag:s24], $0x1  }
0x21: {  	[sflag:s24] =	ssyncset.done $0x0  }
0x22: {  	[sflag:s24] =	ssyncadd.s32 $0xFFFFFFFF  }
0x23: {  	s5 =	sld [smem:$0x0]  }
0x24: {  	s6 =	sand.u32 $0xFFFFFFFE, s1  }
0x25: {  	p0 =	sne.s32 s1, s6  }
0x26: {  	s6 =	sshll.u32 @p0 s6, $0xE  }
0x27: {  	s6 =	sadd.s32 @p0 $0x11B8D, s6;
	s7 =	sshll.u32 @p0 s5, $0x11  }
0x28: {  	s6 =	sor.u32 @p0 s7, s6  }
0x29: {  	[sflag:s6] =	ssyncadd.remote.s32 @p0 $0x1;
	_ =	sdelay $0x1  }
0x2a: {  	s6 =	simm.s32 @p0 $0x1B8D  }
0x2b: {  	_ =	swait.eq @p0 [sflag:s6], $0x1  }
0x2c: {  	[sflag:s6] =	ssyncadd.s32 @p0 $0xFFFFFFFF  }
0x2d: {  	s7 =	sshll.u32 @!p0 s1, $0xE  }
0x2e: {  	s7 =	sor.u32 @!p0 $0x4000, s7;
	s6 =	simm.s32 @!p0 $0x1B8D  }
0x2f: {  	s5 =	sshll.u32 @!p0 s5, $0x11;
	s7 =	sadd.s32 @!p0 $0x11B8D, s7;
	_ =	swait.eq @!p0 [sflag:s6], $0x1  }
0x30: {  	s5 =	sor.u32 @!p0 s5, s7;
	[sflag:s6] =	ssyncadd.s32 @!p0 $0xFFFFFFFF  }
0x31: {  	s26 =	simm.s32 $0x1B8E;
	s25 =	sld [smem:$0x3FFE];
	[sflag:s5] =	ssyncadd.remote.s32 @!p0 $0x1  }
0x32: {  	s27 =	simm.s32 $execute0_lowered;
	[smem:$0x3FD2] =	sst s26  }
0x33: {  	s6 =	sshll.u32 s27, $0x1;
	_ =	strace $0x8000004C;
	[dreg:$0x1] =	wrdreg $0xFFFFFFFF  }
0x34: {  	s28 =	simm.s32 $_size_execute0_lowered;
	s4 =	sadd.s32 s4, s6;
	[dreg:$0x0] =	wrdreg $0x0  }
0x35: {  	s6 =	sshll.u32 s28, $0x1;
	[dreg:$0x2] =	wrdreg s4  }
0x36: {  	[dreg:$0x3] =	wrdreg s6  }
0x37: {  	[dreg:$0x4] =	wrdreg $0xC0  }
0x38: {  	_ =	task [dreg:s23], $0x5FFFF  }
0x39: {  	[dreg:$0x1] =	wrdreg $0xFFFFFFFF  }
0x3a: {  	[dreg:$0x0] =	wrdreg $0x60  }
0x3b: {  	[dreg:$0x2] =	wrdreg s25  }
0x3c: {  	[dreg:$0x3] =	wrdreg s18  }
0x3d: {  	[dreg:$0x4] =	wrdreg $0xA  }
0x3e: {  	_ =	task.clear_ibuf [dreg:s23], $0x5FFFF;
	_ =	strace $0x9000004C  }
0x3f: {  	s29 =	simm.s32 $0xA;
	_ =	strace $0x8000004E  }
0x40: {  	_ =	swait.ge [sflag:s29], $0x1  }
0x41: {  	[sflag:s29] =	ssyncadd.s32 $0xFFFFFFFF  }
0x42: {  	_ =	strace $0x9000004E  }
0x43: {  	_ =	sfence  }
0x44: {  	s30 =	sld [smem:$0x0];
	_ =	sdelay $0x2  }
0x45: {  	s31 =	sshll.u32 s1, $0xD;
	s1 =	sshrl.u32 s1, $0x2  }
0x46: {  	s4 =	sand.u32 $0x4000, s31;
	s1 =	sadd.s32 s1, s30  }
0x47: {  	s0 =	sor.u32 s4, s0;
	s1 =	sshll.u32 s1, $0x11  }
0x48: {  	s0 =	sor.u32 s1, s0  }
0x49: {  	s0 =	sadd.s32 $0x8F2B, s0  }
0x4a: {  	[sflag:s0] =	ssyncadd.remote.s32 $0x1  }
0x4b: {  	_ =	sfence.sel $0xFFFF  }
0x4c: {  	[dreg:$0x0] =	wrdreg $0xFFFFFFFF;
	(pc) =	sbr.abs _section_cstart, $3  }
0x4d: {  	[dreg:$0x1] =	wrdreg $0xFFFFFFFF  }
0x4e: {  	_ =	task.clear_ibuf [dreg:s23], $0x2FFFF;
	_ =	strace $0x9FFFFFFF  }
0x4f: {  	(tm) =	ssettm $0x7FFFFFFF  }
tec
execute0_lowered:
.L_overlay_start_1:
0x0: {  	(tag) =	ssettag $0x1  }
0x1: {  	s4 =	rddreg [dreg:$0x0]  }
0x2: {  	s2 =	rddreg [dreg:$0x1];
	s1 =	stileid.u32  }
0x3: {  	s3 =	srdreg.scid;
	s0 =	rddreg [dreg:$0x2];
	_ =	strace $0x8000004D  }
0x4: {  	s10 =	simm.s32 $0x2;
	s14 =	simm.s32 $0x0;
	s16 =	simm.s32 $0x0  }
0x5: {  	s12 =	simm.s32 $0x0;
	s15 =	simm.s32 $0x0;
	s3 =	sshll.u32 s3, $0x4  }
0x6: {  	s5 =	sshll.u32 s1, $0x7;
	s4 =	sadd.s32 $0x22000, s4;
	s6 =	sand.u32 $0x10, s3  }
0x7: {  	s3 =	sand.u32 $0x180, s5;
	s5 =	simm.s32 $0x1;
	s8 =	sor.u32 s1, s6  }
0x8: {  	s31 =	ssub.s32 $0xC800, s3;
	[sflag:s5] =	ssyncpa.u1 $0x0;
	s13 =	smov.u32 s3  }
.Ltmp0:
0x9: {  	s7 =	sshll.u32 s8, $0x5;
	s9 =	sand.u32 $0x180, s31;
	(pc) =	sbr.rel .LBB1_1-.Ltmp0, $4  }
0xa: {  	s11 =	sshrl.u32 s31, $0x9;
	p0 =	sne.s32 s9, $0x0;
	s9 =	simm.s32 $0x1  }
0xb: {  	[sflag:s10] =	ssyncpa.u1 $0x0;
	s8 =	sshll.u32 s8, $0x8;
	s9 =	simm.s32 @!p0 $0x0  }
0xc: {  	s10 =	simm.s32 $0x64000;
	s6 =	sand.u32 $0x380, s7;
	s7 =	sadd.s32 s9, s11  }
0xd: {  	p0 =	por $0x0, $0x0;
	s11 =	simm.s32 $0x0;
	s9 =	sadd.s32 $0x1, s7  }
.LBB1_4:
0xe: {  	s22 =	sshrl.u32 s11, $0x3  }
0xf: {  	s23 =	sshll.u32 s12, $0x3;
	s24 =	sand.u32 $0x7F, s12;
	s22 =	smul.u32 $0x64000, s22  }
0x10: {  	v5 =	vld [tilespmem:s18+$0xFFFFFFD0];
	s21 =	sshra.s32 s21, $0x2;
	s25 =	sshra.s32 s12, $0x1F;
	s23 =	sand.u32 $0xFFFFFC00, s23  }
0x11: {  	[tilespmem:s20+$0x2040 ss:$0x81] =	vst.msk $0xffff, v4;
	v58 =	vld [tilespmem:s18+$0xFFFFFFE0];
	p1 =	sgt.s32 s12, $0xC780;
	s25 =	sand.u32 s25, s12;
	s22 =	sadd.s32 s23, s22  }
0x12: {  	[tilespmem:s20+$0x2850 ss:$0x81] =	vst.msk $0xffff, v3;
	v59 =	vld [tilespmem:s18+$0xFFFFFFF0];
	s23 =	sor.u32 s24, s22;
	s22 =	smulhi.u32 $0x51EB851F, s22;
	s24 =	smov.u32 s12  }
0x13: {  	[tilespmem:s20+$0x3060 ss:$0x81] =	vst.msk $0xffff, v2;
	v60 =	vld [tilespmem:s18+$0x0];
	s19 =	sadd.s32 s21, s19;
	s26 =	smulhi.u32 $0x51EB851F, s23;
	s24 =	simm.s32 @!p1 $0xC780  }
0x14: {  	[tilespmem:s20+$0x0 ss:$0x81] =	vst.msk $0xffff, v0;
	v61 =	vld [tilespmem:s18+$0x10];
	p1 =	sgt.s32 s11, $0x368;
	s28 =	sshrl.u32 s22, $0xE;
	s29 =	ssub.s32 s24, s25  }
0x15: {  	[tilespmem:s19+$0x3870 ss:$0x81] =	vst.msk $0xffff, v1;
	s30 =	sshrl.u32 s26, $0xE;
	s31 =	smulhi.u32 $0x418938, s28;
	s25 =	sadd.s32 $0xFFFF3880, s29  }
0x16: {  	v62 =	vld [tilespmem:s18+$0x20];
	[tilespmem:s19+$0x810 ss:$0x81] =	vst.msk $0xffff, v5;
	s22 =	smul.u32 $0xC800, s30;
	p2 =	sgt.s32 s25, $0x7F;
	s25 =	smov.u32 s11  }
0x17: {  	v63 =	vld [tilespmem:s18+$0xFFFFFFC0];
	[tilespmem:s19+$0x1020 ss:$0x81] =	vst.msk $0xffff, v58;
	s21 =	ssub.s32 $0xC800, s29;
	s25 =	simm.s32 @!p1 $0x368;
	s26 =	smul.u32 $0x3E8, s31  }
0x18: {  	[tilespmem:s19+$0x1830 ss:$0x81] =	vst.msk $0xffff, v59;
	s21 =	simm.s32 @p2 $0x0;
	s27 =	ssub.s32 $0x3E8, s25  }
0x19: {  	[tilespmem:s19+$0x2040 ss:$0x81] =	vst.msk $0xffff, v60;
	s22 =	ssub.s32 s23, s22;
	s18 =	ssub.s32 s28, s26;
	s28 =	smul.u32 s27, s21  }
0x1a: {  	[tilespmem:s19+$0x2850 ss:$0x81] =	vst.msk $0xffff, v61;
	s29 =	sshrl.u32 s22, $0x3;
	s22 =	sand.u32 $0x7, s22;
	s18 =	smul.u32 $0x1900, s18  }
0x1b: {  	[tilespmem:s19+$0x3060 ss:$0x81] =	vst.msk $0xffff, v62;
	s21 =	sadd.s32 s2, s29;
	s22 =	sshll.u32 s22, $0x12  }
0x1c: {  	[tilespmem:s19+$0x0 ss:$0x81] =	vst.msk $0xffff, v63;
	s30 =	sand.u32 $0x3FFFFFF8, s28;
	s31 =	sor.u32 $0x400, s22;
	s18 =	sadd.s32 s18, s21  }
0x1d: {  	[hbm4b:s18+s31] =	stream.strided.scatter [tilespmem:s17], [sflag:$0x2], s30, s10, s31, $0x20;
	[tilespmem:$0x10100] =	vst v63  }
.LBB1_5:
0x1e: {  	p1 =	slt.u32 s15, $0x2  }
0x1f: {  	p2 =	sgt.s32 @!p1 s16, $0xC780  }
0x20: {  	s17 =	smov.u32 s16;
	s18 =	sshra.s32 @!p1 s16, $0x1F;
	p2 =	por !p2, p1  }
0x21: {  	s16 =	sand.u32 @!p1 s18, s16;
	s17 =	simm.s32 @p2 $0xC780  }
0x22: {  	s16 =	ssub.s32 @!p1 s17, s16  }
0x23: {  	p2 =	sgt.s32 @!p1 s14, $0x368;
	s17 =	sadd.s32 @!p1 $0xFFFF3880, s16  }
0x24: {  	s18 =	sadd.s32 $0x200, s13;
	p2 =	por !p2, p1;
	p3 =	sgt.s32 @!p1 s17, $0x7F  }
0x25: {  	s14 =	simm.s32 @p2 $0x368;
	s16 =	ssub.s32 @!p1 $0xC800, s16;
	p2 =	por !p3, p1  }
0x26: {  	s14 =	ssub.s32 @!p1 $0x3E8, s14;
	s16 =	simm.s32 @!p2 $0x0;
	p2 =	sgt.s32 s18, $0xC7FF  }
0x27: {  	s14 =	smul.u32 @!p1 s14, s16;
	s18 =	smov.u32 @p2 s3;
	p2 =	sne.s32 s15, s9  }
.Ltmp1:
0x28: {  	s20 =	sadd.s32 $0x1, s15;
	p0 =	por !p0, !p0;
	(pc) =	sbr.rel @!p2 .LBB1_6-.Ltmp1, $4  }
0x29: {  	s17 =	simm.s32 @!p1 $0x2;
	s16 =	smov.u32 s12;
	s14 =	sand.u32 @!p1 $0x3FFFFFFF, s14  }
0x2a: {  	s12 =	smov.u32 s13;
	s15 =	smov.u32 s20;
	_ =	swait.ge @!p1 [sflag:s17], s14  }
0x2b: {  	s13 =	smov.u32 s18;
	s19 =	ssub.s32 @!p1 $0x0, s14;
	[sflag:s17] =	ssyncset.done @!p1 $0x0  }
0x2c: {  	s14 =	smov.u32 s11;
	s11 =	smov.u32 s6;
	[sflag:s17] =	ssyncadd.s32 @!p1 s19  }
.LBB1_1:
0x2d: {  	p1 =	sge.u32 s15, s7  }
0x2e: {  	s17 =	sshll.u32 @!p1 s13, $0xA  }
0x2f: {  	s17 =	sand.u32 @!p1 $0xFFFFE000, s17  }
0x30: {  	s17 =	sor.u32 @!p1 s8, s17  }
0x31: {  	s17 =	sshrl.u32 @!p1 s17, $0xA  }
0x32: {  	s18 =	smulhi.u32 @!p1 $0x28F5C3, s17;
	_ =	sdelay $0x1  }
0x33: {  	s18 =	sshrl.u32 @!p1 s18, $0x5  }
0x34: {  	s18 =	smul.u32 @!p1 $0xC800, s18  }
0x35: {  	s31 =	sadd.s32 $0xFFFFFFFF, s15;
	s19 =	sxor.u32 @!p1 $0xFFFFFFFF, s15;
	s20 =	sshll.u32 @!p1 s13, $0x4  }
0x36: {  	s19 =	sshll.u32 @!p1 s19, $0xE;
	s17 =	ssub.s32 @!p1 s17, s18;
	s18 =	sand.u32 @!p1 $0x70, s20  }
0x37: {  	s19 =	sand.u32 @!p1 $0x4000, s19;
	s17 =	sshll.u32 @!p1 s17, $0x7;
	s18 =	sadd.s32 @!p1 s4, s18  }
0x38: {  	s20 =	simm.s32 @!p1 $0x2000;
	s17 =	sadd.s32 @!p1 s17, s18;
	s18 =	simm.s32 @!p1 $0x400  }
0x39: {  	[tilespmem:s19], [sflag:$0x1] =	stream.strided.gather @!p1 [hbm4b:s17+s18], $0x4000, s20, s18, $0x38;
	[tilespmem:$0x10100] =	vst v63  }
0x3a: {  	p1 =	sge.u32 s31, s7  }
.Ltmp2:
0x3b: {  	_ = 	snop;
	(pc) =	sbr.rel @p1 .LBB1_5-.Ltmp2, $1  }
0x3c: {  	_ =	sdelay $0x3  }
0x3d: {  	s17 =	simm.s32 $0x1  }
0x3e: {  	_ =	swait.ge [sflag:s5], $0x4000;
	s17 =	simm.s32 @!p0 $0x0  }
0x3f: {  	[sflag:s5] =	ssyncset.done $0x0;
	s18 =	sshll.u32 s17, $0xE  }
0x40: {  	[sflag:s5] =	ssyncadd.s32 $0xFFFFC000;
	s18 =	sor.u32 $0x40, s18  }
0x41: {  	s17 =	smul.u32 $0x10200, s17;
	v0 =	vld [tilespmem:s18+$0x30]  }
0x42: {  	v1 =	vld [tilespmem:s18+$0xFFFFFFD0]  }
0x43: {  	s17 =	sshrl.u32 s17, $0x2;
	v5 =	vld [tilespmem:s18+$0xFFFFFFE0]  }
0x44: {  	v6 =	vld [tilespmem:s18+$0xFFFFFFF0];
	s19 =	sor.u32 $0x8000, s17  }
0x45: {  	s31 =	sand.u32 $0x1, s15;
	v4 =	vld [tilespmem:s18+$0x0];
	s20 =	sadd.s32 $0x0, s19  }
0x46: {  	v3 =	vld [tilespmem:s18+$0x10];
	s17 =	smul.u32 $0x10200, s31;
	[tilespmem:s20+$0x3870 ss:$0x81] =	vst.msk $0xffff, v0  }
0x47: {  	v2 =	vld [tilespmem:s18+$0x20];
	[tilespmem:s20+$0x810 ss:$0x81] =	vst.msk $0xffff, v1  }
0x48: {  	s17 =	sshrl.u32 s17, $0x2;
	v0 =	vld [tilespmem:s18+$0xFFFFFFC0];
	[tilespmem:s20+$0x1020 ss:$0x81] =	vst.msk $0xffff, v5;
	s18 =	sadd.s32 $0x80, s18  }
0x49: {  	s21 =	simm.s32 $0x4;
	s22 =	simm.s32 $0x8;
	s17 =	sor.u32 $0x8000, s17;
	[tilespmem:s20+$0x1830 ss:$0x81] =	vst.msk $0xffff, v6;
	v1 =	vld [tilespmem:s18+$0x30]  }
.LBB1_3:
0x4a: {  	p1 =	sne.s32 s22, $0x1FC;
	v5 =	vld [tilespmem:s18+$0xFFFFFFD0];
	[tilespmem:s20+$0x2040 ss:$0x81] =	vst.msk $0xffff, v4  }
0x4b: {  	v6 =	vld [tilespmem:s18+$0xFFFFFFE0];
	[tilespmem:s20+$0x2850 ss:$0x81] =	vst.msk $0xffff, v3  }
0x4c: {  	s23 =	sshra.s32 s21, $0x2;
	s21 =	smov.u32 s22;
	v7 =	vld [tilespmem:s18+$0xFFFFFFF0];
	[tilespmem:s20+$0x3060 ss:$0x81] =	vst.msk $0xffff, v2  }
.Ltmp3:
0x4d: {  	v4 =	vld [tilespmem:s18+$0x0];
	[tilespmem:s20+$0x0 ss:$0x81] =	vst.msk $0xffff, v0;
	s20 =	sadd.s32 s23, s19;
	(pc) =	sbr.rel @p1 .LBB1_3-.Ltmp3, $4  }
0x4e: {  	v3 =	vld [tilespmem:s18+$0x10];
	[tilespmem:s20+$0x3870 ss:$0x81] =	vst.msk $0xffff, v1  }
0x4f: {  	[tilespmem:s20+$0x810 ss:$0x81] =	vst.msk $0xffff, v5;
	v2 =	vld [tilespmem:s18+$0x20]  }
0x50: {  	v0 =	vld [tilespmem:s18+$0xFFFFFFC0];
	[tilespmem:s20+$0x1020 ss:$0x81] =	vst.msk $0xffff, v6;
	s18 =	sadd.s32 $0x80, s18  }
0x51: {  	s22 =	sadd.s32 $0x4, s22;
	v1 =	vld [tilespmem:s18+$0x30];
	[tilespmem:s20+$0x1830 ss:$0x81] =	vst.msk $0xffff, v7  }
.Ltmp4:
0x52: {  	_ = 	snop;
	(pc) =	sbr.rel .LBB1_4-.Ltmp4, $1  }
0x53: {  	_ =	sdelay $0x3  }
.LBB1_6:
0x54: {  	_ =	sfence.sel $0x180000  }
0x55: {  	s2 =	simm.s32 $0x1;
	[bflag:$0x0] =	sbarrier.arrive $0xFFFF  }
0x56: {  	s31 =	simm.s32 $0x2;
	[sflag:s2] =	ssyncpa.u1 $0x1  }
0x57: {  	[sflag:s31] =	ssyncpa.u1 $0x1  }
0x58: {  	p0 =	sne.s32 s1, $0x0;
	_ =	strace $0x9000004D  }
0x59: {  	s0 =	sadd.s32 @!p0 $0x100000, s0;
	[bflag:$0x2] =	sbarrier.arrive $0xFFFF  }
0x5a: {  	[sflag:s0] =	ssyncadd.tile.s32 @!p0 $0x1;
	_ =	shalt  }
.Lfunc_end1:
_tile_overlayer_lowered:
.L_overlay_start_2:
0x5b: {  	(tag) =	ssettag $0x2  }
0x5c: {  	s0 =	rddreg [dreg:$0x0];
	s2 =	stileid.u32  }
0x5d: {  	s1 =	rddreg [dreg:$0x1];
	p0 =	sne.s32 s2, $0x0  }
0x5e: {  	s3 =	rddreg [dreg:$0x2];
	[bflag:$0x3] =	sbarrier.arrive $0xFFFF;
	s2 =	simm.s32 @!p0 $0x1C01  }
0x5f: {  	[timem:s3], [sflag:s2] =	dma.local @!p0 [hbm:s0], s1  }
0x60: {  	s0 =	simm.s32 @!p0 $0x1  }
0x61: {  	_ =	swait.ge @!p0 [sflag:s0], s1  }
0x62: {  	s1 =	ssub.s32 @!p0 $0x0, s1;
	[sflag:s0] =	ssyncset.done @!p0 $0x0  }
0x63: {  	[sflag:s0] =	ssyncadd.s32 @!p0 s1  }
0x64: {  	[bflag:$0x3] =	sbarrier.arrive $0xFFFF  }
0x65: {  	_ =	shalt  }

</sc_bundles>
